<compile_context>
chip_gen: v7x
topology: tpu7x:2x2x1
jax: 0.10.2.dev20260603
libtpu: 0.0.44.dev20260713+nightly
codegen_flags: <defaults>
</compile_context>

<pallas_src>
import functools

import jax
import jax.numpy as jnp
from jax import lax
from jax.experimental import pallas as pl
from jax.experimental.pallas import tpu as pltpu
from jax.experimental.pallas import tpu_sc as plsc

D = 32
B = 16384
NC, NS = 2, 16
NW = NC * NS
B_PER_W = B // NW
GRP = 16
HALF = B_PER_W // 2
N_GRP_H = HALF // GRP


def _gather_body(table_hbm, idx_hbm, out_hbm, idx_v, rows_v, sem_a, sem_b, sem_s):
    wid = lax.axis_index("s") * NC + lax.axis_index("c")
    base = wid * B_PER_W
    pltpu.sync_copy(idx_hbm.at[pl.ds(base, B_PER_W)], idx_v)
    lane = jnp.arange(GRP, dtype=jnp.int32)

    def fire_half(h, sem_h):
        def group(g, carry):
            vec = idx_v[pl.ds(h * HALF + g * GRP, GRP)]
            for k in range(GRP):
                row = jnp.max(jnp.where(lane == k, vec, 0), axis=0)
                pltpu.async_copy(
                    table_hbm.at[pl.ds(row, 1)],
                    rows_v.at[pl.ds(h * HALF + g * GRP + k, 1)],
                    sem_h,
                )
            return carry

        lax.fori_loop(0, N_GRP_H, group, 0)

    fire_half(0, sem_a)
    fire_half(1, sem_b)
    pltpu.make_async_copy(
        table_hbm.at[pl.ds(0, HALF)], rows_v.at[pl.ds(0, HALF)], sem_a
    ).wait()
    pltpu.async_copy(
        rows_v.at[pl.ds(0, HALF)], out_hbm.at[pl.ds(base, HALF)], sem_s
    )
    pltpu.make_async_copy(
        table_hbm.at[pl.ds(0, HALF)], rows_v.at[pl.ds(HALF, HALF)], sem_b
    ).wait()
    pltpu.async_copy(
        rows_v.at[pl.ds(HALF, HALF)], out_hbm.at[pl.ds(base + HALF, HALF)], sem_s
    )
    pltpu.make_async_copy(rows_v, out_hbm.at[pl.ds(base, B_PER_W)], sem_s).wait()


@jax.jit
def kernel(process_indices, table):
    idx = process_indices.astype(jnp.int32)
    mesh = plsc.VectorSubcoreMesh(core_axis_name="c", subcore_axis_name="s")
    k = functools.partial(
        pl.kernel,
        mesh=mesh,
        out_type=jax.ShapeDtypeStruct((B, D), jnp.float32),
        scratch_types=[
            pltpu.VMEM((B_PER_W,), jnp.int32),
            pltpu.VMEM((B_PER_W, D), jnp.float32),
            pltpu.SemaphoreType.DMA,
            pltpu.SemaphoreType.DMA,
            pltpu.SemaphoreType.DMA,
        ],
        compiler_params=pltpu.CompilerParams(
            use_tc_tiling_on_sc=True, needs_layout_passes=False
        ),
    )(_gather_body)
    return k(table, idx)

# --- scband reference (transcript-rebuilt; emitter-appended) ---
"""Pipeline reference for scband-clsembedding-9663676416416 (READ-ONLY COPY).

The authoritative reference and input builder live on the scoring server;
editing this copy changes nothing except your own understanding.
"""

import jax, jax.numpy as jnp
import numpy as np

N_PROCESSES = 100000
EMBED_DIM = 32
BATCH = 16384

def setup_inputs(seed: int = 0) -> dict:
    key = jax.random.key(seed)
    k_idx, k_tab = jax.random.split(key)
    process_indices = jax.random.randint(k_idx, (BATCH,), 0, N_PROCESSES, dtype=jnp.int64 if jax.config.jax_enable_x64 else jnp.int32)
    # Embedding table initialized as nn.init.normal_(mean=0.0, std=0.01)
    table = jax.random.normal(k_tab, (N_PROCESSES, EMBED_DIM), dtype=jnp.float32) * 0.01
    return {"process_indices": process_indices, "table": table}

def reference(process_indices, table):
    # nn.Embedding forward: row gather from the embedding table
    return jnp.take(table, process_indices, axis=0)

if __name__ == "__main__":
    import jax
    _d = setup_inputs()
    print(jax.jit(kernel)(*tuple(_d.values())))

</pallas_src>

<mosaic_0001>
#map = affine_map<(d0, d1) -> (0, 0)>
#map1 = affine_map<(d0, d1) -> (0)>
module attributes {stable_mosaic.version = 14 : i64} {
  func.func @_gather_body(%arg0: i32, %arg1: i32, %arg2: memref<100000x32xf32, #tpu.memory_space<hbm>>, %arg3: memref<16384xi32, #tpu.memory_space<hbm>>, %arg4: memref<16384x32xf32, #tpu.memory_space<hbm>>, %arg5: memref<512xi32, #tpu.memory_space<vmem>>, %arg6: memref<512x32xf32, #tpu.memory_space<vmem>>, %arg7: memref<!tpu.dma_semaphore, #tpu.memory_space<semaphore_mem>>, %arg8: memref<!tpu.dma_semaphore, #tpu.memory_space<semaphore_mem>>, %arg9: memref<!tpu.dma_semaphore, #tpu.memory_space<semaphore_mem>>) attributes {dimension_semantics = [#tpu.dimension_semantics<core_parallel>, #tpu.dimension_semantics<subcore_parallel>], iteration_bounds = array<i64: 2, 16>, scalar_prefetch = 0 : i64, scratch_operands = 5 : i64, tpu.core_type = #tpu.core_type<sc_vector_subcore>, window_params = [{transform_indices = #map}, {transform_indices = #map1}, {transform_indices = #map}]} {
    %mul3A = arith.constant 2 : i32
    %mul3A_0 = arith.muli %arg1, %mul3A : i32
    %add3A = arith.addi %mul3A_0, %arg0 : i32
    %mul3A_1 = arith.constant 512 : i32
    %mul3A_2 = arith.muli %add3A, %mul3A_1 : i32
    "tpu.region"() ({
      %run_scoped3A = tpu.sem_alloc : memref<!tpu.dma_semaphore, #tpu.memory_space<semaphore_mem>>
      %dma_start3A_62 = tpu.memref_slice %arg3[%mul3A_2] : memref<16384xi32, #tpu.memory_space<hbm>> -> memref<512xi32, #tpu.memory_space<hbm>>
      %dma_start3A_63 = tpu.memref_slice %arg3[%mul3A_2] : memref<16384xi32, #tpu.memory_space<hbm>> -> memref<512xi32, #tpu.memory_space<hbm>>
      tpu.enqueue_dma source(%dma_start3A_63 : memref<512xi32, #tpu.memory_space<hbm>>) target(%arg5 : memref<512xi32, #tpu.memory_space<vmem>>) target_semaphore(%run_scoped3A : memref<!tpu.dma_semaphore, #tpu.memory_space<semaphore_mem>>)
      %dma_wait3A_64 = tpu.memref_slice %arg3[%mul3A_2] : memref<16384xi32, #tpu.memory_space<hbm>> -> memref<512xi32, #tpu.memory_space<hbm>>
      %dma_wait3A_65 = tpu.memref_slice %arg3[%mul3A_2] : memref<16384xi32, #tpu.memory_space<hbm>> -> memref<512xi32, #tpu.memory_space<hbm>>
      tpu.wait_dma2 semaphore(%run_scoped3A : memref<!tpu.dma_semaphore, #tpu.memory_space<semaphore_mem>>) src(%dma_wait3A_65 : memref<512xi32, #tpu.memory_space<hbm>>) dst(%arg5 : memref<512xi32, #tpu.memory_space<vmem>>)
      tpu.yield
    }) : () -> ()
    %iota3A = tpu.iota {dimensions = array<i32: 0>} : vector<16xi32>
    %scan3A = arith.constant 0 : i32
    %scan3A_3 = arith.constant 0 : i32
    %scan3A_4 = arith.constant 16 : i32
    %scan3A_5 = arith.addi %scan3A_3, %scan3A_4 : i32
    %scan3A_6 = arith.constant 1 : i32
    scf.for %scan3A_62 = %scan3A_3 to %scan3A_5 step %scan3A_6  : i32 {
      %mul3A_63 = arith.constant 16 : i32
      %mul3A_64 = arith.muli %scan3A_62, %mul3A_63 : i32
      %add3A_65 = arith.constant 0 : i32
      %add3A_66 = arith.addi %add3A_65, %mul3A_64 : i32
      %get3A = arith.index_cast %add3A_66 : i32 to index
      %get3A_67 = tpu.vector_load %arg5[%get3A] {strides = array<i32>} : memref<512xi32, #tpu.memory_space<vmem>>, vector<16xi32>,
      %eq3A = arith.constant 0 : i32
      %eq3A_68 = vector.broadcast %eq3A : i32 to vector<16xi32>
      %eq3A_69 = arith.cmpi eq, %iota3A, %eq3A_68 : vector<16xi32>
      %jit3A = arith.constant 0 : i32
      %broadcast_in_dim3A = vector.broadcast %jit3A : i32 to vector<16xi32>
      %select_n3A = arith.select %eq3A_69, %get3A_67, %broadcast_in_dim3A : vector<16xi1>, vector<16xi32>
      %reduce_max3A = arith.constant true
      %reduce_max3A_70 = vector.broadcast %reduce_max3A : i1 to vector<16xi1>
      %reduce_max3A_71 = arith.constant -2147483648 : i32
      %reduce_max3A_72 = vector.broadcast %reduce_max3A_71 : i32 to vector<16xi32>
      %reduce_max3A_73 = arith.xori %select_n3A, %reduce_max3A_72 : vector<16xi32>
      %reduce_max3A_74 = tpu.scan <max>, %reduce_max3A_73 masked %reduce_max3A_70 : vector<16xi32>, vector<16xi1> -> vector<16xi32>
      %reduce_max3A_75 = arith.xori %reduce_max3A_74, %reduce_max3A_72 : vector<16xi32>
      %reduce_max3A_76 = vector.extract %reduce_max3A_75[15] : i32 from vector<16xi32>
      %mul3A_77 = arith.constant 16 : i32
      %mul3A_78 = arith.muli %scan3A_62, %mul3A_77 : i32
      %add3A_79 = arith.constant 0 : i32
      %add3A_80 = arith.addi %add3A_79, %mul3A_78 : i32
      %add3A_81 = arith.constant 0 : i32
      %add3A_82 = arith.addi %add3A_80, %add3A_81 : i32
      %dma_start3A_83 = arith.constant 0 : i32
      %dma_start3A_84 = tpu.memref_slice %arg6[%add3A_82, %dma_start3A_83] : memref<512x32xf32, #tpu.memory_space<vmem>> -> memref<1x32xf32, #tpu.memory_space<vmem>>
      %dma_start3A_85 = arith.constant 0 : i32
      %dma_start3A_86 = tpu.memref_slice %arg2[%reduce_max3A_76, %dma_start3A_85] : memref<100000x32xf32, #tpu.memory_space<hbm>> -> memref<1x32xf32, #tpu.memory_space<hbm>>
      %dma_start3A_87 = arith.constant 0 : i32
      %dma_start3A_88 = tpu.memref_slice %arg6[%add3A_82, %dma_start3A_87] : memref<512x32xf32, #tpu.memory_space<vmem>> -> memref<1x32xf32, #tpu.memory_space<vmem>>
      %dma_start3A_89 = arith.constant 0 : i32
      %dma_start3A_90 = tpu.memref_slice %arg2[%reduce_max3A_76, %dma_start3A_89] : memref<100000x32xf32, #tpu.memory_space<hbm>> -> memref<1x32xf32, #tpu.memory_space<hbm>>
      tpu.enqueue_dma source(%dma_start3A_90 : memref<1x32xf32, #tpu.memory_space<hbm>>) target(%dma_start3A_88 : memref<1x32xf32, #tpu.memory_space<vmem>>) target_semaphore(%arg7 : memref<!tpu.dma_semaphore, #tpu.memory_space<semaphore_mem>>)
      %eq3A_91 = arith.constant 1 : i32
      %eq3A_92 = vector.broadcast %eq3A_91 : i32 to vector<16xi32>
      %eq3A_93 = arith.cmpi eq, %iota3A, %eq3A_92 : vector<16xi32>
      %jit3A_94 = arith.constant 0 : i32
      %broadcast_in_dim3A_95 = vector.broadcast %jit3A_94 : i32 to vector<16xi32>
      %select_n3A_96 = arith.select %eq3A_93, %get3A_67, %broadcast_in_dim3A_95 : vector<16xi1>, vector<16xi32>
      %reduce_max3A_97 = arith.constant true
      %reduce_max3A_98 = vector.broadcast %reduce_max3A_97 : i1 to vector<16xi1>
      %reduce_max3A_99 = arith.constant -2147483648 : i32
      %reduce_max3A_100 = vector.broadcast %reduce_max3A_99 : i32 to vector<16xi32>
      %reduce_max3A_101 = arith.xori %select_n3A_96, %reduce_max3A_100 : vector<16xi32>
      %reduce_max3A_102 = tpu.scan <max>, %reduce_max3A_101 masked %reduce_max3A_98 : vector<16xi32>, vector<16xi1> -> vector<16xi32>
      %reduce_max3A_103 = arith.xori %reduce_max3A_102, %reduce_max3A_100 : vector<16xi32>
      %reduce_max3A_104 = vector.extract %reduce_max3A_103[15] : i32 from vector<16xi32>
      %mul3A_105 = arith.constant 16 : i32
      %mul3A_106 = arith.muli %scan3A_62, %mul3A_105 : i32
      %add3A_107 = arith.constant 0 : i32
      %add3A_108 = arith.addi %add3A_107, %mul3A_106 : i32
      %add3A_109 = arith.constant 1 : i32
      %add3A_110 = arith.addi %add3A_108, %add3A_109 : i32
      %dma_start3A_111 = arith.constant 0 : i32
      %dma_start3A_112 = tpu.memref_slice %arg6[%add3A_110, %dma_start3A_111] : memref<512x32xf32, #tpu.memory_space<vmem>> -> memref<1x32xf32, #tpu.memory_space<vmem>>
      %dma_start3A_113 = arith.constant 0 : i32
      %dma_start3A_114 = tpu.memref_slice %arg2[%reduce_max3A_104, %dma_start3A_113] : memref<100000x32xf32, #tpu.memory_space<hbm>> -> memref<1x32xf32, #tpu.memory_space<hbm>>
      %dma_start3A_115 = arith.constant 0 : i32
      %dma_start3A_116 = tpu.memref_slice %arg6[%add3A_110, %dma_start3A_115] : memref<512x32xf32, #tpu.memory_space<vmem>> -> memref<1x32xf32, #tpu.memory_space<vmem>>
      %dma_start3A_117 = arith.constant 0 : i32
      %dma_start3A_118 = tpu.memref_slice %arg2[%reduce_max3A_104, %dma_start3A_117] : memref<100000x32xf32, #tpu.memory_space<hbm>> -> memref<1x32xf32, #tpu.memory_space<hbm>>
      tpu.enqueue_dma source(%dma_start3A_118 : memref<1x32xf32, #tpu.memory_space<hbm>>) target(%dma_start3A_116 : memref<1x32xf32, #tpu.memory_space<vmem>>) target_semaphore(%arg7 : memref<!tpu.dma_semaphore, #tpu.memory_space<semaphore_mem>>)
      %eq3A_119 = arith.constant 2 : i32
      %eq3A_120 = vector.broadcast %eq3A_119 : i32 to vector<16xi32>
      %eq3A_121 = arith.cmpi eq, %iota3A, %eq3A_120 : vector<16xi32>
      %jit3A_122 = arith.constant 0 : i32
      %broadcast_in_dim3A_123 = vector.broadcast %jit3A_122 : i32 to vector<16xi32>
      %select_n3A_124 = arith.select %eq3A_121, %get3A_67, %broadcast_in_dim3A_123 : vector<16xi1>, vector<16xi32>
      %reduce_max3A_125 = arith.constant true
      %reduce_max3A_126 = vector.broadcast %reduce_max3A_125 : i1 to vector<16xi1>
      %reduce_max3A_127 = arith.constant -2147483648 : i32
      %reduce_max3A_128 = vector.broadcast %reduce_max3A_127 : i32 to vector<16xi32>
      %reduce_max3A_129 = arith.xori %select_n3A_124, %reduce_max3A_128 : vector<16xi32>
      %reduce_max3A_130 = tpu.scan <max>, %reduce_max3A_129 masked %reduce_max3A_126 : vector<16xi32>, vector<16xi1> -> vector<16xi32>
      %reduce_max3A_131 = arith.xori %reduce_max3A_130, %reduce_max3A_128 : vector<16xi32>
      %reduce_max3A_132 = vector.extract %reduce_max3A_131[15] : i32 from vector<16xi32>
      %mul3A_133 = arith.constant 16 : i32
      %mul3A_134 = arith.muli %scan3A_62, %mul3A_133 : i32
      %add3A_135 = arith.constant 0 : i32
      %add3A_136 = arith.addi %add3A_135, %mul3A_134 : i32
      %add3A_137 = arith.constant 2 : i32
      %add3A_138 = arith.addi %add3A_136, %add3A_137 : i32
      %dma_start3A_139 = arith.constant 0 : i32
      %dma_start3A_140 = tpu.memref_slice %arg6[%add3A_138, %dma_start3A_139] : memref<512x32xf32, #tpu.memory_space<vmem>> -> memref<1x32xf32, #tpu.memory_space<vmem>>
      %dma_start3A_141 = arith.constant 0 : i32
      %dma_start3A_142 = tpu.memref_slice %arg2[%reduce_max3A_132, %dma_start3A_141] : memref<100000x32xf32, #tpu.memory_space<hbm>> -> memref<1x32xf32, #tpu.memory_space<hbm>>
      %dma_start3A_143 = arith.constant 0 : i32
      %dma_start3A_144 = tpu.memref_slice %arg6[%add3A_138, %dma_start3A_143] : memref<512x32xf32, #tpu.memory_space<vmem>> -> memref<1x32xf32, #tpu.memory_space<vmem>>
      %dma_start3A_145 = arith.constant 0 : i32
      %dma_start3A_146 = tpu.memref_slice %arg2[%reduce_max3A_132, %dma_start3A_145] : memref<100000x32xf32, #tpu.memory_space<hbm>> -> memref<1x32xf32, #tpu.memory_space<hbm>>
      tpu.enqueue_dma source(%dma_start3A_146 : memref<1x32xf32, #tpu.memory_space<hbm>>) target(%dma_start3A_144 : memref<1x32xf32, #tpu.memory_space<vmem>>) target_semaphore(%arg7 : memref<!tpu.dma_semaphore, #tpu.memory_space<semaphore_mem>>)
      %eq3A_147 = arith.constant 3 : i32
      %eq3A_148 = vector.broadcast %eq3A_147 : i32 to vector<16xi32>
      %eq3A_149 = arith.cmpi eq, %iota3A, %eq3A_148 : vector<16xi32>
      %jit3A_150 = arith.constant 0 : i32
      %broadcast_in_dim3A_151 = vector.broadcast %jit3A_150 : i32 to vector<16xi32>
      %select_n3A_152 = arith.select %eq3A_149, %get3A_67, %broadcast_in_dim3A_151 : vector<16xi1>, vector<16xi32>
      %reduce_max3A_153 = arith.constant true
      %reduce_max3A_154 = vector.broadcast %reduce_max3A_153 : i1 to vector<16xi1>
      %reduce_max3A_155 = arith.constant -2147483648 : i32
      %reduce_max3A_156 = vector.broadcast %reduce_max3A_155 : i32 to vector<16xi32>
      %reduce_max3A_157 = arith.xori %select_n3A_152, %reduce_max3A_156 : vector<16xi32>
      %reduce_max3A_158 = tpu.scan <max>, %reduce_max3A_157 masked %reduce_max3A_154 : vector<16xi32>, vector<16xi1> -> vector<16xi32>
      %reduce_max3A_159 = arith.xori %reduce_max3A_158, %reduce_max3A_156 : vector<16xi32>
      %reduce_max3A_160 = vector.extract %reduce_max3A_159[15] : i32 from vector<16xi32>
      %mul3A_161 = arith.constant 16 : i32
      %mul3A_162 = arith.muli %scan3A_62, %mul3A_161 : i32
      %add3A_163 = arith.constant 0 : i32
      %add3A_164 = arith.addi %add3A_163, %mul3A_162 : i32
      %add3A_165 = arith.constant 3 : i32
      %add3A_166 = arith.addi %add3A_164, %add3A_165 : i32
      %dma_start3A_167 = arith.constant 0 : i32
      %dma_start3A_168 = tpu.memref_slice %arg6[%add3A_166, %dma_start3A_167] : memref<512x32xf32, #tpu.memory_space<vmem>> -> memref<1x32xf32, #tpu.memory_space<vmem>>
      %dma_start3A_169 = arith.constant 0 : i32
      %dma_start3A_170 = tpu.memref_slice %arg2[%reduce_max3A_160, %dma_start3A_169] : memref<100000x32xf32, #tpu.memory_space<hbm>> -> memref<1x32xf32, #tpu.memory_space<hbm>>
      %dma_start3A_171 = arith.constant 0 : i32
      %dma_start3A_172 = tpu.memref_slice %arg6[%add3A_166, %dma_start3A_171] : memref<512x32xf32, #tpu.memory_space<vmem>> -> memref<1x32xf32, #tpu.memory_space<vmem>>
      %dma_start3A_173 = arith.constant 0 : i32
      %dma_start3A_174 = tpu.memref_slice %arg2[%reduce_max3A_160, %dma_start3A_173] : memref<100000x32xf32, #tpu.memory_space<hbm>> -> memref<1x32xf32, #tpu.memory_space<hbm>>
      tpu.enqueue_dma source(%dma_start3A_174 : memref<1x32xf32, #tpu.memory_space<hbm>>) target(%dma_start3A_172 : memref<1x32xf32, #tpu.memory_space<vmem>>) target_semaphore(%arg7 : memref<!tpu.dma_semaphore, #tpu.memory_space<semaphore_mem>>)
      %eq3A_175 = arith.constant 4 : i32
      %eq3A_176 = vector.broadcast %eq3A_175 : i32 to vector<16xi32>
      %eq3A_177 = arith.cmpi eq, %iota3A, %eq3A_176 : vector<16xi32>
      %jit3A_178 = arith.constant 0 : i32
      %broadcast_in_dim3A_179 = vector.broadcast %jit3A_178 : i32 to vector<16xi32>
      %select_n3A_180 = arith.select %eq3A_177, %get3A_67, %broadcast_in_dim3A_179 : vector<16xi1>, vector<16xi32>
      %reduce_max3A_181 = arith.constant true
      %reduce_max3A_182 = vector.broadcast %reduce_max3A_181 : i1 to vector<16xi1>
      %reduce_max3A_183 = arith.constant -2147483648 : i32
      %reduce_max3A_184 = vector.broadcast %reduce_max3A_183 : i32 to vector<16xi32>
      %reduce_max3A_185 = arith.xori %select_n3A_180, %reduce_max3A_184 : vector<16xi32>
      %reduce_max3A_186 = tpu.scan <max>, %reduce_max3A_185 masked %reduce_max3A_182 : vector<16xi32>, vector<16xi1> -> vector<16xi32>
      %reduce_max3A_187 = arith.xori %reduce_max3A_186, %reduce_max3A_184 : vector<16xi32>
      %reduce_max3A_188 = vector.extract %reduce_max3A_187[15] : i32 from vector<16xi32>
      %mul3A_189 = arith.constant 16 : i32
      %mul3A_190 = arith.muli %scan3A_62, %mul3A_189 : i32
      %add3A_191 = arith.constant 0 : i32
      %add3A_192 = arith.addi %add3A_191, %mul3A_190 : i32
      %add3A_193 = arith.constant 4 : i32
      %add3A_194 = arith.addi %add3A_192, %add3A_193 : i32
      %dma_start3A_195 = arith.constant 0 : i32
      %dma_start3A_196 = tpu.memref_slice %arg6[%add3A_194, %dma_start3A_195] : memref<512x32xf32, #tpu.memory_space<vmem>> -> memref<1x32xf32, #tpu.memory_space<vmem>>
      %dma_start3A_197 = arith.constant 0 : i32
      %dma_start3A_198 = tpu.memref_slice %arg2[%reduce_max3A_188, %dma_start3A_197] : memref<100000x32xf32, #tpu.memory_space<hbm>> -> memref<1x32xf32, #tpu.memory_space<hbm>>
      %dma_start3A_199 = arith.constant 0 : i32
      %dma_start3A_200 = tpu.memref_slice %arg6[%add3A_194, %dma_start3A_199] : memref<512x32xf32, #tpu.memory_space<vmem>> -> memref<1x32xf32, #tpu.memory_space<vmem>>
      %dma_start3A_201 = arith.constant 0 : i32
      %dma_start3A_202 = tpu.memref_slice %arg2[%reduce_max3A_188, %dma_start3A_201] : memref<100000x32xf32, #tpu.memory_space<hbm>> -> memref<1x32xf32, #tpu.memory_space<hbm>>
      tpu.enqueue_dma source(%dma_start3A_202 : memref<1x32xf32, #tpu.memory_space<hbm>>) target(%dma_start3A_200 : memref<1x32xf32, #tpu.memory_space<vmem>>) target_semaphore(%arg7 : memref<!tpu.dma_semaphore, #tpu.memory_space<semaphore_mem>>)
      %eq3A_203 = arith.constant 5 : i32
      %eq3A_204 = vector.broadcast %eq3A_203 : i32 to vector<16xi32>
      %eq3A_205 = arith.cmpi eq, %iota3A, %eq3A_204 : vector<16xi32>
      %jit3A_206 = arith.constant 0 : i32
      %broadcast_in_dim3A_207 = vector.broadcast %jit3A_206 : i32 to vector<16xi32>
      %select_n3A_208 = arith.select %eq3A_205, %get3A_67, %broadcast_in_dim3A_207 : vector<16xi1>, vector<16xi32>
      %reduce_max3A_209 = arith.constant true
      %reduce_max3A_210 = vector.broadcast %reduce_max3A_209 : i1 to vector<16xi1>
      %reduce_max3A_211 = arith.constant -2147483648 : i32
      %reduce_max3A_212 = vector.broadcast %reduce_max3A_211 : i32 to vector<16xi32>
      %reduce_max3A_213 = arith.xori %select_n3A_208, %reduce_max3A_212 : vector<16xi32>
      %reduce_max3A_214 = tpu.scan <max>, %reduce_max3A_213 masked %reduce_max3A_210 : vector<16xi32>, vector<16xi1> -> vector<16xi32>
      %reduce_max3A_215 = arith.xori %reduce_max3A_214, %reduce_max3A_212 : vector<16xi32>
      %reduce_max3A_216 = vector.extract %reduce_max3A_215[15] : i32 from vector<16xi32>
      %mul3A_217 = arith.constant 16 : i32
      %mul3A_218 = arith.muli %scan3A_62, %mul3A_217 : i32
      %add3A_219 = arith.constant 0 : i32
      %add3A_220 = arith.addi %add3A_219, %mul3A_218 : i32
      %add3A_221 = arith.constant 5 : i32
      %add3A_222 = arith.addi %add3A_220, %add3A_221 : i32
      %dma_start3A_223 = arith.constant 0 : i32
      %dma_start3A_224 = tpu.memref_slice %arg6[%add3A_222, %dma_start3A_223] : memref<512x32xf32, #tpu.memory_space<vmem>> -> memref<1x32xf32, #tpu.memory_space<vmem>>
      %dma_start3A_225 = arith.constant 0 : i32
      %dma_start3A_226 = tpu.memref_slice %arg2[%reduce_max3A_216, %dma_start3A_225] : memref<100000x32xf32, #tpu.memory_space<hbm>> -> memref<1x32xf32, #tpu.memory_space<hbm>>
      %dma_start3A_227 = arith.constant 0 : i32
      %dma_start3A_228 = tpu.memref_slice %arg6[%add3A_222, %dma_start3A_227] : memref<512x32xf32, #tpu.memory_space<vmem>> -> memref<1x32xf32, #tpu.memory_space<vmem>>
      %dma_start3A_229 = arith.constant 0 : i32
      %dma_start3A_230 = tpu.memref_slice %arg2[%reduce_max3A_216, %dma_start3A_229] : memref<100000x32xf32, #tpu.memory_space<hbm>> -> memref<1x32xf32, #tpu.memory_space<hbm>>
      tpu.enqueue_dma source(%dma_start3A_230 : memref<1x32xf32, #tpu.memory_space<hbm>>) target(%dma_start3A_228 : memref<1x32xf32, #tpu.memory_space<vmem>>) target_semaphore(%arg7 : memref<!tpu.dma_semaphore, #tpu.memory_space<semaphore_mem>>)
      %eq3A_231 = arith.constant 6 : i32
      %eq3A_232 = vector.broadcast %eq3A_231 : i32 to vector<16xi32>
      %eq3A_233 = arith.cmpi eq, %iota3A, %eq3A_232 : vector<16xi32>
      %jit3A_234 = arith.constant 0 : i32
      %broadcast_in_dim3A_235 = vector.broadcast %jit3A_234 : i32 to vector<16xi32>
      %select_n3A_236 = arith.select %eq3A_233, %get3A_67, %broadcast_in_dim3A_235 : vector<16xi1>, vector<16xi32>
      %reduce_max3A_237 = arith.constant true
      %reduce_max3A_238 = vector.broadcast %reduce_max3A_237 : i1 to vector<16xi1>
      %reduce_max3A_239 = arith.constant -2147483648 : i32
      %reduce_max3A_240 = vector.broadcast %reduce_max3A_239 : i32 to vector<16xi32>
      %reduce_max3A_241 = arith.xori %select_n3A_236, %reduce_max3A_240 : vector<16xi32>
      %reduce_max3A_242 = tpu.scan <max>, %reduce_max3A_241 masked %reduce_max3A_238 : vector<16xi32>, vector<16xi1> -> vector<16xi32>
      %reduce_max3A_243 = arith.xori %reduce_max3A_242, %reduce_max3A_240 : vector<16xi32>
      %reduce_max3A_244 = vector.extract %reduce_max3A_243[15] : i32 from vector<16xi32>
      %mul3A_245 = arith.constant 16 : i32
      %mul3A_246 = arith.muli %scan3A_62, %mul3A_245 : i32
      %add3A_247 = arith.constant 0 : i32
      %add3A_248 = arith.addi %add3A_247, %mul3A_246 : i32
      %add3A_249 = arith.constant 6 : i32
      %add3A_250 = arith.addi %add3A_248, %add3A_249 : i32
      %dma_start3A_251 = arith.constant 0 : i32
      %dma_start3A_252 = tpu.memref_slice %arg6[%add3A_250, %dma_start3A_251] : memref<512x32xf32, #tpu.memory_space<vmem>> -> memref<1x32xf32, #tpu.memory_space<vmem>>
      %dma_start3A_253 = arith.constant 0 : i32
      %dma_start3A_254 = tpu.memref_slice %arg2[%reduce_max3A_244, %dma_start3A_253] : memref<100000x32xf32, #tpu.memory_space<hbm>> -> memref<1x32xf32, #tpu.memory_space<hbm>>
      %dma_start3A_255 = arith.constant 0 : i32
      %dma_start3A_256 = tpu.memref_slice %arg6[%add3A_250, %dma_start3A_255] : memref<512x32xf32, #tpu.memory_space<vmem>> -> memref<1x32xf32, #tpu.memory_space<vmem>>
      %dma_start3A_257 = arith.constant 0 : i32
      %dma_start3A_258 = tpu.memref_slice %arg2[%reduce_max3A_244, %dma_start3A_257] : memref<100000x32xf32, #tpu.memory_space<hbm>> -> memref<1x32xf32, #tpu.memory_space<hbm>>
      tpu.enqueue_dma source(%dma_start3A_258 : memref<1x32xf32, #tpu.memory_space<hbm>>) target(%dma_start3A_256 : memref<1x32xf32, #tpu.memory_space<vmem>>) target_semaphore(%arg7 : memref<!tpu.dma_semaphore, #tpu.memory_space<semaphore_mem>>)
      %eq3A_259 = arith.constant 7 : i32
      %eq3A_260 = vector.broadcast %eq3A_259 : i32 to vector<16xi32>
      %eq3A_261 = arith.cmpi eq, %iota3A, %eq3A_260 : vector<16xi32>
      %jit3A_262 = arith.constant 0 : i32
      %broadcast_in_dim3A_263 = vector.broadcast %jit3A_262 : i32 to vector<16xi32>
      %select_n3A_264 = arith.select %eq3A_261, %get3A_67, %broadcast_in_dim3A_263 : vector<16xi1>, vector<16xi32>
      %reduce_max3A_265 = arith.constant true
      %reduce_max3A_266 = vector.broadcast %reduce_max3A_265 : i1 to vector<16xi1>
      %reduce_max3A_267 = arith.constant -2147483648 : i32
      %reduce_max3A_268 = vector.broadcast %reduce_max3A_267 : i32 to vector<16xi32>
      %reduce_max3A_269 = arith.xori %select_n3A_264, %reduce_max3A_268 : vector<16xi32>
      %reduce_max3A_270 = tpu.scan <max>, %reduce_max3A_269 masked %reduce_max3A_266 : vector<16xi32>, vector<16xi1> -> vector<16xi32>
      %reduce_max3A_271 = arith.xori %reduce_max3A_270, %reduce_max3A_268 : vector<16xi32>
      %reduce_max3A_272 = vector.extract %reduce_max3A_271[15] : i32 from vector<16xi32>
      %mul3A_273 = arith.constant 16 : i32
      %mul3A_274 = arith.muli %scan3A_62, %mul3A_273 : i32
      %add3A_275 = arith.constant 0 : i32
      %add3A_276 = arith.addi %add3A_275, %mul3A_274 : i32
      %add3A_277 = arith.constant 7 : i32
      %add3A_278 = arith.addi %add3A_276, %add3A_277 : i32
      %dma_start3A_279 = arith.constant 0 : i32
      %dma_start3A_280 = tpu.memref_slice %arg6[%add3A_278, %dma_start3A_279] : memref<512x32xf32, #tpu.memory_space<vmem>> -> memref<1x32xf32, #tpu.memory_space<vmem>>
      %dma_start3A_281 = arith.constant 0 : i32
      %dma_start3A_282 = tpu.memref_slice %arg2[%reduce_max3A_272, %dma_start3A_281] : memref<100000x32xf32, #tpu.memory_space<hbm>> -> memref<1x32xf32, #tpu.memory_space<hbm>>
      %dma_start3A_283 = arith.constant 0 : i32
      %dma_start3A_284 = tpu.memref_slice %arg6[%add3A_278, %dma_start3A_283] : memref<512x32xf32, #tpu.memory_space<vmem>> -> memref<1x32xf32, #tpu.memory_space<vmem>>
      %dma_start3A_285 = arith.constant 0 : i32
      %dma_start3A_286 = tpu.memref_slice %arg2[%reduce_max3A_272, %dma_start3A_285] : memref<100000x32xf32, #tpu.memory_space<hbm>> -> memref<1x32xf32, #tpu.memory_space<hbm>>
      tpu.enqueue_dma source(%dma_start3A_286 : memref<1x32xf32, #tpu.memory_space<hbm>>) target(%dma_start3A_284 : memref<1x32xf32, #tpu.memory_space<vmem>>) target_semaphore(%arg7 : memref<!tpu.dma_semaphore, #tpu.memory_space<semaphore_mem>>)
      %eq3A_287 = arith.constant 8 : i32
      %eq3A_288 = vector.broadcast %eq3A_287 : i32 to vector<16xi32>
      %eq3A_289 = arith.cmpi eq, %iota3A, %eq3A_288 : vector<16xi32>
      %jit3A_290 = arith.constant 0 : i32
      %broadcast_in_dim3A_291 = vector.broadcast %jit3A_290 : i32 to vector<16xi32>
      %select_n3A_292 = arith.select %eq3A_289, %get3A_67, %broadcast_in_dim3A_291 : vector<16xi1>, vector<16xi32>
      %reduce_max3A_293 = arith.constant true
      %reduce_max3A_294 = vector.broadcast %reduce_max3A_293 : i1 to vector<16xi1>
      %reduce_max3A_295 = arith.constant -2147483648 : i32
      %reduce_max3A_296 = vector.broadcast %reduce_max3A_295 : i32 to vector<16xi32>
      %reduce_max3A_297 = arith.xori %select_n3A_292, %reduce_max3A_296 : vector<16xi32>
      %reduce_max3A_298 = tpu.scan <max>, %reduce_max3A_297 masked %reduce_max3A_294 : vector<16xi32>, vector<16xi1> -> vector<16xi32>
      %reduce_max3A_299 = arith.xori %reduce_max3A_298, %reduce_max3A_296 : vector<16xi32>
      %reduce_max3A_300 = vector.extract %reduce_max3A_299[15] : i32 from vector<16xi32>
      %mul3A_301 = arith.constant 16 : i32
      %mul3A_302 = arith.muli %scan3A_62, %mul3A_301 : i32
      %add3A_303 = arith.constant 0 : i32
      %add3A_304 = arith.addi %add3A_303, %mul3A_302 : i32
      %add3A_305 = arith.constant 8 : i32
      %add3A_306 = arith.addi %add3A_304, %add3A_305 : i32
      %dma_start3A_307 = arith.constant 0 : i32
      %dma_start3A_308 = tpu.memref_slice %arg6[%add3A_306, %dma_start3A_307] : memref<512x32xf32, #tpu.memory_space<vmem>> -> memref<1x32xf32, #tpu.memory_space<vmem>>
      %dma_start3A_309 = arith.constant 0 : i32
      %dma_start3A_310 = tpu.memref_slice %arg2[%reduce_max3A_300, %dma_start3A_309] : memref<100000x32xf32, #tpu.memory_space<hbm>> -> memref<1x32xf32, #tpu.memory_space<hbm>>
      %dma_start3A_311 = arith.constant 0 : i32
      %dma_start3A_312 = tpu.memref_slice %arg6[%add3A_306, %dma_start3A_311] : memref<512x32xf32, #tpu.memory_space<vmem>> -> memref<1x32xf32, #tpu.memory_space<vmem>>
      %dma_start3A_313 = arith.constant 0 : i32
      %dma_start3A_314 = tpu.memref_slice %arg2[%reduce_max3A_300, %dma_start3A_313] : memref<100000x32xf32, #tpu.memory_space<hbm>> -> memref<1x32xf32, #tpu.memory_space<hbm>>
      tpu.enqueue_dma source(%dma_start3A_314 : memref<1x32xf32, #tpu.memory_space<hbm>>) target(%dma_start3A_312 : memref<1x32xf32, #tpu.memory_space<vmem>>) target_semaphore(%arg7 : memref<!tpu.dma_semaphore, #tpu.memory_space<semaphore_mem>>)
      %eq3A_315 = arith.constant 9 : i32
      %eq3A_316 = vector.broadcast %eq3A_315 : i32 to vector<16xi32>
      %eq3A_317 = arith.cmpi eq, %iota3A, %eq3A_316 : vector<16xi32>
      %jit3A_318 = arith.constant 0 : i32
      %broadcast_in_dim3A_319 = vector.broadcast %jit3A_318 : i32 to vector<16xi32>
      %select_n3A_320 = arith.select %eq3A_317, %get3A_67, %broadcast_in_dim3A_319 : vector<16xi1>, vector<16xi32>
      %reduce_max3A_321 = arith.constant true
      %reduce_max3A_322 = vector.broadcast %reduce_max3A_321 : i1 to vector<16xi1>
      %reduce_max3A_323 = arith.constant -2147483648 : i32
      %reduce_max3A_324 = vector.broadcast %reduce_max3A_323 : i32 to vector<16xi32>
      %reduce_max3A_325 = arith.xori %select_n3A_320, %reduce_max3A_324 : vector<16xi32>
      %reduce_max3A_326 = tpu.scan <max>, %reduce_max3A_325 masked %reduce_max3A_322 : vector<16xi32>, vector<16xi1> -> vector<16xi32>
      %reduce_max3A_327 = arith.xori %reduce_max3A_326, %reduce_max3A_324 : vector<16xi32>
      %reduce_max3A_328 = vector.extract %reduce_max3A_327[15] : i32 from vector<16xi32>
      %mul3A_329 = arith.constant 16 : i32
      %mul3A_330 = arith.muli %scan3A_62, %mul3A_329 : i32
      %add3A_331 = arith.constant 0 : i32
      %add3A_332 = arith.addi %add3A_331, %mul3A_330 : i32
      %add3A_333 = arith.constant 9 : i32
      %add3A_334 = arith.addi %add3A_332, %add3A_333 : i32
      %dma_start3A_335 = arith.constant 0 : i32
      %dma_start3A_336 = tpu.memref_slice %arg6[%add3A_334, %dma_start3A_335] : memref<512x32xf32, #tpu.memory_space<vmem>> -> memref<1x32xf32, #tpu.memory_space<vmem>>
      %dma_start3A_337 = arith.constant 0 : i32
      %dma_start3A_338 = tpu.memref_slice %arg2[%reduce_max3A_328, %dma_start3A_337] : memref<100000x32xf32, #tpu.memory_space<hbm>> -> memref<1x32xf32, #tpu.memory_space<hbm>>
      %dma_start3A_339 = arith.constant 0 : i32
      %dma_start3A_340 = tpu.memref_slice %arg6[%add3A_334, %dma_start3A_339] : memref<512x32xf32, #tpu.memory_space<vmem>> -> memref<1x32xf32, #tpu.memory_space<vmem>>
      %dma_start3A_341 = arith.constant 0 : i32
      %dma_start3A_342 = tpu.memref_slice %arg2[%reduce_max3A_328, %dma_start3A_341] : memref<100000x32xf32, #tpu.memory_space<hbm>> -> memref<1x32xf32, #tpu.memory_space<hbm>>
      tpu.enqueue_dma source(%dma_start3A_342 : memref<1x32xf32, #tpu.memory_space<hbm>>) target(%dma_start3A_340 : memref<1x32xf32, #tpu.memory_space<vmem>>) target_semaphore(%arg7 : memref<!tpu.dma_semaphore, #tpu.memory_space<semaphore_mem>>)
      %eq3A_343 = arith.constant 10 : i32
      %eq3A_344 = vector.broadcast %eq3A_343 : i32 to vector<16xi32>
      %eq3A_345 = arith.cmpi eq, %iota3A, %eq3A_344 : vector<16xi32>
      %jit3A_346 = arith.constant 0 : i32
      %broadcast_in_dim3A_347 = vector.broadcast %jit3A_346 : i32 to vector<16xi32>
      %select_n3A_348 = arith.select %eq3A_345, %get3A_67, %broadcast_in_dim3A_347 : vector<16xi1>, vector<16xi32>
      %reduce_max3A_349 = arith.constant true
      %reduce_max3A_350 = vector.broadcast %reduce_max3A_349 : i1 to vector<16xi1>
      %reduce_max3A_351 = arith.constant -2147483648 : i32
      %reduce_max3A_352 = vector.broadcast %reduce_max3A_351 : i32 to vector<16xi32>
      %reduce_max3A_353 = arith.xori %select_n3A_348, %reduce_max3A_352 : vector<16xi32>
      %reduce_max3A_354 = tpu.scan <max>, %reduce_max3A_353 masked %reduce_max3A_350 : vector<16xi32>, vector<16xi1> -> vector<16xi32>
      %reduce_max3A_355 = arith.xori %reduce_max3A_354, %reduce_max3A_352 : vector<16xi32>
      %reduce_max3A_356 = vector.extract %reduce_max3A_355[15] : i32 from vector<16xi32>
      %mul3A_357 = arith.constant 16 : i32
      %mul3A_358 = arith.muli %scan3A_62, %mul3A_357 : i32
      %add3A_359 = arith.constant 0 : i32
      %add3A_360 = arith.addi %add3A_359, %mul3A_358 : i32
      %add3A_361 = arith.constant 10 : i32
      %add3A_362 = arith.addi %add3A_360, %add3A_361 : i32
      %dma_start3A_363 = arith.constant 0 : i32
      %dma_start3A_364 = tpu.memref_slice %arg6[%add3A_362, %dma_start3A_363] : memref<512x32xf32, #tpu.memory_space<vmem>> -> memref<1x32xf32, #tpu.memory_space<vmem>>
      %dma_start3A_365 = arith.constant 0 : i32
      %dma_start3A_366 = tpu.memref_slice %arg2[%reduce_max3A_356, %dma_start3A_365] : memref<100000x32xf32, #tpu.memory_space<hbm>> -> memref<1x32xf32, #tpu.memory_space<hbm>>
      %dma_start3A_367 = arith.constant 0 : i32
      %dma_start3A_368 = tpu.memref_slice %arg6[%add3A_362, %dma_start3A_367] : memref<512x32xf32, #tpu.memory_space<vmem>> -> memref<1x32xf32, #tpu.memory_space<vmem>>
      %dma_start3A_369 = arith.constant 0 : i32
      %dma_start3A_370 = tpu.memref_slice %arg2[%reduce_max3A_356, %dma_start3A_369] : memref<100000x32xf32, #tpu.memory_space<hbm>> -> memref<1x32xf32, #tpu.memory_space<hbm>>
      tpu.enqueue_dma source(%dma_start3A_370 : memref<1x32xf32, #tpu.memory_space<hbm>>) target(%dma_start3A_368 : memref<1x32xf32, #tpu.memory_space<vmem>>) target_semaphore(%arg7 : memref<!tpu.dma_semaphore, #tpu.memory_space<semaphore_mem>>)
      %eq3A_371 = arith.constant 11 : i32
      %eq3A_372 = vector.broadcast %eq3A_371 : i32 to vector<16xi32>
      %eq3A_373 = arith.cmpi eq, %iota3A, %eq3A_372 : vector<16xi32>
      %jit3A_374 = arith.constant 0 : i32
      %broadcast_in_dim3A_375 = vector.broadcast %jit3A_374 : i32 to vector<16xi32>
      %select_n3A_376 = arith.select %eq3A_373, %get3A_67, %broadcast_in_dim3A_375 : vector<16xi1>, vector<16xi32>
      %reduce_max3A_377 = arith.constant true
      %reduce_max3A_378 = vector.broadcast %reduce_max3A_377 : i1 to vector<16xi1>
      %reduce_max3A_379 = arith.constant -2147483648 : i32
      %reduce_max3A_380 = vector.broadcast %reduce_max3A_379 : i32 to vector<16xi32>
      %reduce_max3A_381 = arith.xori %select_n3A_376, %reduce_max3A_380 : vector<16xi32>
      %reduce_max3A_382 = tpu.scan <max>, %reduce_max3A_381 masked %reduce_max3A_378 : vector<16xi32>, vector<16xi1> -> vector<16xi32>
      %reduce_max3A_383 = arith.xori %reduce_max3A_382, %reduce_max3A_380 : vector<16xi32>
      %reduce_max3A_384 = vector.extract %reduce_max3A_383[15] : i32 from vector<16xi32>
      %mul3A_385 = arith.constant 16 : i32
      %mul3A_386 = arith.muli %scan3A_62, %mul3A_385 : i32
      %add3A_387 = arith.constant 0 : i32
      %add3A_388 = arith.addi %add3A_387, %mul3A_386 : i32
      %add3A_389 = arith.constant 11 : i32
      %add3A_390 = arith.addi %add3A_388, %add3A_389 : i32
      %dma_start3A_391 = arith.constant 0 : i32
      %dma_start3A_392 = tpu.memref_slice %arg6[%add3A_390, %dma_start3A_391] : memref<512x32xf32, #tpu.memory_space<vmem>> -> memref<1x32xf32, #tpu.memory_space<vmem>>
      %dma_start3A_393 = arith.constant 0 : i32
      %dma_start3A_394 = tpu.memref_slice %arg2[%reduce_max3A_384, %dma_start3A_393] : memref<100000x32xf32, #tpu.memory_space<hbm>> -> memref<1x32xf32, #tpu.memory_space<hbm>>
      %dma_start3A_395 = arith.constant 0 : i32
      %dma_start3A_396 = tpu.memref_slice %arg6[%add3A_390, %dma_start3A_395] : memref<512x32xf32, #tpu.memory_space<vmem>> -> memref<1x32xf32, #tpu.memory_space<vmem>>
      %dma_start3A_397 = arith.constant 0 : i32
      %dma_start3A_398 = tpu.memref_slice %arg2[%reduce_max3A_384, %dma_start3A_397] : memref<100000x32xf32, #tpu.memory_space<hbm>> -> memref<1x32xf32, #tpu.memory_space<hbm>>
      tpu.enqueue_dma source(%dma_start3A_398 : memref<1x32xf32, #tpu.memory_space<hbm>>) target(%dma_start3A_396 : memref<1x32xf32, #tpu.memory_space<vmem>>) target_semaphore(%arg7 : memref<!tpu.dma_semaphore, #tpu.memory_space<semaphore_mem>>)
      %eq3A_399 = arith.constant 12 : i32
      %eq3A_400 = vector.broadcast %eq3A_399 : i32 to vector<16xi32>
      %eq3A_401 = arith.cmpi eq, %iota3A, %eq3A_400 : vector<16xi32>
      %jit3A_402 = arith.constant 0 : i32
      %broadcast_in_dim3A_403 = vector.broadcast %jit3A_402 : i32 to vector<16xi32>
      %select_n3A_404 = arith.select %eq3A_401, %get3A_67, %broadcast_in_dim3A_403 : vector<16xi1>, vector<16xi32>
      %reduce_max3A_405 = arith.constant true
      %reduce_max3A_406 = vector.broadcast %reduce_max3A_405 : i1 to vector<16xi1>
      %reduce_max3A_407 = arith.constant -2147483648 : i32
      %reduce_max3A_408 = vector.broadcast %reduce_max3A_407 : i32 to vector<16xi32>
      %reduce_max3A_409 = arith.xori %select_n3A_404, %reduce_max3A_408 : vector<16xi32>
      %reduce_max3A_410 = tpu.scan <max>, %reduce_max3A_409 masked %reduce_max3A_406 : vector<16xi32>, vector<16xi1> -> vector<16xi32>
      %reduce_max3A_411 = arith.xori %reduce_max3A_410, %reduce_max3A_408 : vector<16xi32>
      %reduce_max3A_412 = vector.extract %reduce_max3A_411[15] : i32 from vector<16xi32>
      %mul3A_413 = arith.constant 16 : i32
      %mul3A_414 = arith.muli %scan3A_62, %mul3A_413 : i32
      %add3A_415 = arith.constant 0 : i32
      %add3A_416 = arith.addi %add3A_415, %mul3A_414 : i32
      %add3A_417 = arith.constant 12 : i32
      %add3A_418 = arith.addi %add3A_416, %add3A_417 : i32
      %dma_start3A_419 = arith.constant 0 : i32
      %dma_start3A_420 = tpu.memref_slice %arg6[%add3A_418, %dma_start3A_419] : memref<512x32xf32, #tpu.memory_space<vmem>> -> memref<1x32xf32, #tpu.memory_space<vmem>>
      %dma_start3A_421 = arith.constant 0 : i32
      %dma_start3A_422 = tpu.memref_slice %arg2[%reduce_max3A_412, %dma_start3A_421] : memref<100000x32xf32, #tpu.memory_space<hbm>> -> memref<1x32xf32, #tpu.memory_space<hbm>>
      %dma_start3A_423 = arith.constant 0 : i32
      %dma_start3A_424 = tpu.memref_slice %arg6[%add3A_418, %dma_start3A_423] : memref<512x32xf32, #tpu.memory_space<vmem>> -> memref<1x32xf32, #tpu.memory_space<vmem>>
      %dma_start3A_425 = arith.constant 0 : i32
      %dma_start3A_426 = tpu.memref_slice %arg2[%reduce_max3A_412, %dma_start3A_425] : memref<100000x32xf32, #tpu.memory_space<hbm>> -> memref<1x32xf32, #tpu.memory_space<hbm>>
      tpu.enqueue_dma source(%dma_start3A_426 : memref<1x32xf32, #tpu.memory_space<hbm>>) target(%dma_start3A_424 : memref<1x32xf32, #tpu.memory_space<vmem>>) target_semaphore(%arg7 : memref<!tpu.dma_semaphore, #tpu.memory_space<semaphore_mem>>)
      %eq3A_427 = arith.constant 13 : i32
      %eq3A_428 = vector.broadcast %eq3A_427 : i32 to vector<16xi32>
      %eq3A_429 = arith.cmpi eq, %iota3A, %eq3A_428 : vector<16xi32>
      %jit3A_430 = arith.constant 0 : i32
      %broadcast_in_dim3A_431 = vector.broadcast %jit3A_430 : i32 to vector<16xi32>
      %select_n3A_432 = arith.select %eq3A_429, %get3A_67, %broadcast_in_dim3A_431 : vector<16xi1>, vector<16xi32>
      %reduce_max3A_433 = arith.constant true
      %reduce_max3A_434 = vector.broadcast %reduce_max3A_433 : i1 to vector<16xi1>
      %reduce_max3A_435 = arith.constant -2147483648 : i32
      %reduce_max3A_436 = vector.broadcast %reduce_max3A_435 : i32 to vector<16xi32>
      %reduce_max3A_437 = arith.xori %select_n3A_432, %reduce_max3A_436 : vector<16xi32>
      %reduce_max3A_438 = tpu.scan <max>, %reduce_max3A_437 masked %reduce_max3A_434 : vector<16xi32>, vector<16xi1> -> vector<16xi32>
      %reduce_max3A_439 = arith.xori %reduce_max3A_438, %reduce_max3A_436 : vector<16xi32>
      %reduce_max3A_440 = vector.extract %reduce_max3A_439[15] : i32 from vector<16xi32>
      %mul3A_441 = arith.constant 16 : i32
      %mul3A_442 = arith.muli %scan3A_62, %mul3A_441 : i32
      %add3A_443 = arith.constant 0 : i32
      %add3A_444 = arith.addi %add3A_443, %mul3A_442 : i32
      %add3A_445 = arith.constant 13 : i32
      %add3A_446 = arith.addi %add3A_444, %add3A_445 : i32
      %dma_start3A_447 = arith.constant 0 : i32
      %dma_start3A_448 = tpu.memref_slice %arg6[%add3A_446, %dma_start3A_447] : memref<512x32xf32, #tpu.memory_space<vmem>> -> memref<1x32xf32, #tpu.memory_space<vmem>>
      %dma_start3A_449 = arith.constant 0 : i32
      %dma_start3A_450 = tpu.memref_slice %arg2[%reduce_max3A_440, %dma_start3A_449] : memref<100000x32xf32, #tpu.memory_space<hbm>> -> memref<1x32xf32, #tpu.memory_space<hbm>>
      %dma_start3A_451 = arith.constant 0 : i32
      %dma_start3A_452 = tpu.memref_slice %arg6[%add3A_446, %dma_start3A_451] : memref<512x32xf32, #tpu.memory_space<vmem>> -> memref<1x32xf32, #tpu.memory_space<vmem>>
      %dma_start3A_453 = arith.constant 0 : i32
      %dma_start3A_454 = tpu.memref_slice %arg2[%reduce_max3A_440, %dma_start3A_453] : memref<100000x32xf32, #tpu.memory_space<hbm>> -> memref<1x32xf32, #tpu.memory_space<hbm>>
      tpu.enqueue_dma source(%dma_start3A_454 : memref<1x32xf32, #tpu.memory_space<hbm>>) target(%dma_start3A_452 : memref<1x32xf32, #tpu.memory_space<vmem>>) target_semaphore(%arg7 : memref<!tpu.dma_semaphore, #tpu.memory_space<semaphore_mem>>)
      %eq3A_455 = arith.constant 14 : i32
      %eq3A_456 = vector.broadcast %eq3A_455 : i32 to vector<16xi32>
      %eq3A_457 = arith.cmpi eq, %iota3A, %eq3A_456 : vector<16xi32>
      %jit3A_458 = arith.constant 0 : i32
      %broadcast_in_dim3A_459 = vector.broadcast %jit3A_458 : i32 to vector<16xi32>
      %select_n3A_460 = arith.select %eq3A_457, %get3A_67, %broadcast_in_dim3A_459 : vector<16xi1>, vector<16xi32>
      %reduce_max3A_461 = arith.constant true
      %reduce_max3A_462 = vector.broadcast %reduce_max3A_461 : i1 to vector<16xi1>
      %reduce_max3A_463 = arith.constant -2147483648 : i32
      %reduce_max3A_464 = vector.broadcast %reduce_max3A_463 : i32 to vector<16xi32>
      %reduce_max3A_465 = arith.xori %select_n3A_460, %reduce_max3A_464 : vector<16xi32>
      %reduce_max3A_466 = tpu.scan <max>, %reduce_max3A_465 masked %reduce_max3A_462 : vector<16xi32>, vector<16xi1> -> vector<16xi32>
      %reduce_max3A_467 = arith.xori %reduce_max3A_466, %reduce_max3A_464 : vector<16xi32>
      %reduce_max3A_468 = vector.extract %reduce_max3A_467[15] : i32 from vector<16xi32>
      %mul3A_469 = arith.constant 16 : i32
      %mul3A_470 = arith.muli %scan3A_62, %mul3A_469 : i32
      %add3A_471 = arith.constant 0 : i32
      %add3A_472 = arith.addi %add3A_471, %mul3A_470 : i32
      %add3A_473 = arith.constant 14 : i32
      %add3A_474 = arith.addi %add3A_472, %add3A_473 : i32
      %dma_start3A_475 = arith.constant 0 : i32
      %dma_start3A_476 = tpu.memref_slice %arg6[%add3A_474, %dma_start3A_475] : memref<512x32xf32, #tpu.memory_space<vmem>> -> memref<1x32xf32, #tpu.memory_space<vmem>>
      %dma_start3A_477 = arith.constant 0 : i32
      %dma_start3A_478 = tpu.memref_slice %arg2[%reduce_max3A_468, %dma_start3A_477] : memref<100000x32xf32, #tpu.memory_space<hbm>> -> memref<1x32xf32, #tpu.memory_space<hbm>>
      %dma_start3A_479 = arith.constant 0 : i32
      %dma_start3A_480 = tpu.memref_slice %arg6[%add3A_474, %dma_start3A_479] : memref<512x32xf32, #tpu.memory_space<vmem>> -> memref<1x32xf32, #tpu.memory_space<vmem>>
      %dma_start3A_481 = arith.constant 0 : i32
      %dma_start3A_482 = tpu.memref_slice %arg2[%reduce_max3A_468, %dma_start3A_481] : memref<100000x32xf32, #tpu.memory_space<hbm>> -> memref<1x32xf32, #tpu.memory_space<hbm>>
      tpu.enqueue_dma source(%dma_start3A_482 : memref<1x32xf32, #tpu.memory_space<hbm>>) target(%dma_start3A_480 : memref<1x32xf32, #tpu.memory_space<vmem>>) target_semaphore(%arg7 : memref<!tpu.dma_semaphore, #tpu.memory_space<semaphore_mem>>)
      %eq3A_483 = arith.constant 15 : i32
      %eq3A_484 = vector.broadcast %eq3A_483 : i32 to vector<16xi32>
      %eq3A_485 = arith.cmpi eq, %iota3A, %eq3A_484 : vector<16xi32>
      %jit3A_486 = arith.constant 0 : i32
      %broadcast_in_dim3A_487 = vector.broadcast %jit3A_486 : i32 to vector<16xi32>
      %select_n3A_488 = arith.select %eq3A_485, %get3A_67, %broadcast_in_dim3A_487 : vector<16xi1>, vector<16xi32>
      %reduce_max3A_489 = arith.constant true
      %reduce_max3A_490 = vector.broadcast %reduce_max3A_489 : i1 to vector<16xi1>
      %reduce_max3A_491 = arith.constant -2147483648 : i32
      %reduce_max3A_492 = vector.broadcast %reduce_max3A_491 : i32 to vector<16xi32>
      %reduce_max3A_493 = arith.xori %select_n3A_488, %reduce_max3A_492 : vector<16xi32>
      %reduce_max3A_494 = tpu.scan <max>, %reduce_max3A_493 masked %reduce_max3A_490 : vector<16xi32>, vector<16xi1> -> vector<16xi32>
      %reduce_max3A_495 = arith.xori %reduce_max3A_494, %reduce_max3A_492 : vector<16xi32>
      %reduce_max3A_496 = vector.extract %reduce_max3A_495[15] : i32 from vector<16xi32>
      %mul3A_497 = arith.constant 16 : i32
      %mul3A_498 = arith.muli %scan3A_62, %mul3A_497 : i32
      %add3A_499 = arith.constant 0 : i32
      %add3A_500 = arith.addi %add3A_499, %mul3A_498 : i32
      %add3A_501 = arith.constant 15 : i32
      %add3A_502 = arith.addi %add3A_500, %add3A_501 : i32
      %dma_start3A_503 = arith.constant 0 : i32
      %dma_start3A_504 = tpu.memref_slice %arg6[%add3A_502, %dma_start3A_503] : memref<512x32xf32, #tpu.memory_space<vmem>> -> memref<1x32xf32, #tpu.memory_space<vmem>>
      %dma_start3A_505 = arith.constant 0 : i32
      %dma_start3A_506 = tpu.memref_slice %arg2[%reduce_max3A_496, %dma_start3A_505] : memref<100000x32xf32, #tpu.memory_space<hbm>> -> memref<1x32xf32, #tpu.memory_space<hbm>>
      %dma_start3A_507 = arith.constant 0 : i32
      %dma_start3A_508 = tpu.memref_slice %arg6[%add3A_502, %dma_start3A_507] : memref<512x32xf32, #tpu.memory_space<vmem>> -> memref<1x32xf32, #tpu.memory_space<vmem>>
      %dma_start3A_509 = arith.constant 0 : i32
      %dma_start3A_510 = tpu.memref_slice %arg2[%reduce_max3A_496, %dma_start3A_509] : memref<100000x32xf32, #tpu.memory_space<hbm>> -> memref<1x32xf32, #tpu.memory_space<hbm>>
      tpu.enqueue_dma source(%dma_start3A_510 : memref<1x32xf32, #tpu.memory_space<hbm>>) target(%dma_start3A_508 : memref<1x32xf32, #tpu.memory_space<vmem>>) target_semaphore(%arg7 : memref<!tpu.dma_semaphore, #tpu.memory_space<semaphore_mem>>)
    }
    %scan3A_7 = arith.constant 16 : i32
    %scan3A_8 = arith.constant 0 : i32
    %scan3A_9 = arith.constant 0 : i32
    %scan3A_10 = arith.constant 16 : i32
    %scan3A_11 = arith.addi %scan3A_9, %scan3A_10 : i32
    %scan3A_12 = arith.constant 1 : i32
    scf.for %scan3A_62 = %scan3A_9 to %scan3A_11 step %scan3A_12  : i32 {
      %mul3A_63 = arith.constant 16 : i32
      %mul3A_64 = arith.muli %scan3A_62, %mul3A_63 : i32
      %add3A_65 = arith.constant 256 : i32
      %add3A_66 = arith.addi %add3A_65, %mul3A_64 : i32
      %get3A = arith.index_cast %add3A_66 : i32 to index
      %get3A_67 = tpu.vector_load %arg5[%get3A] {strides = array<i32>} : memref<512xi32, #tpu.memory_space<vmem>>, vector<16xi32>,
      %eq3A = arith.constant 0 : i32
      %eq3A_68 = vector.broadcast %eq3A : i32 to vector<16xi32>
      %eq3A_69 = arith.cmpi eq, %iota3A, %eq3A_68 : vector<16xi32>
      %jit3A = arith.constant 0 : i32
      %broadcast_in_dim3A = vector.broadcast %jit3A : i32 to vector<16xi32>
      %select_n3A = arith.select %eq3A_69, %get3A_67, %broadcast_in_dim3A : vector<16xi1>, vector<16xi32>
      %reduce_max3A = arith.constant true
      %reduce_max3A_70 = vector.broadcast %reduce_max3A : i1 to vector<16xi1>
      %reduce_max3A_71 = arith.constant -2147483648 : i32
      %reduce_max3A_72 = vector.broadcast %reduce_max3A_71 : i32 to vector<16xi32>
      %reduce_max3A_73 = arith.xori %select_n3A, %reduce_max3A_72 : vector<16xi32>
      %reduce_max3A_74 = tpu.scan <max>, %reduce_max3A_73 masked %reduce_max3A_70 : vector<16xi32>, vector<16xi1> -> vector<16xi32>
      %reduce_max3A_75 = arith.xori %reduce_max3A_74, %reduce_max3A_72 : vector<16xi32>
      %reduce_max3A_76 = vector.extract %reduce_max3A_75[15] : i32 from vector<16xi32>
      %mul3A_77 = arith.constant 16 : i32
      %mul3A_78 = arith.muli %scan3A_62, %mul3A_77 : i32
      %add3A_79 = arith.constant 256 : i32
      %add3A_80 = arith.addi %add3A_79, %mul3A_78 : i32
      %add3A_81 = arith.constant 0 : i32
      %add3A_82 = arith.addi %add3A_80, %add3A_81 : i32
      %dma_start3A_83 = arith.constant 0 : i32
      %dma_start3A_84 = tpu.memref_slice %arg6[%add3A_82, %dma_start3A_83] : memref<512x32xf32, #tpu.memory_space<vmem>> -> memref<1x32xf32, #tpu.memory_space<vmem>>
      %dma_start3A_85 = arith.constant 0 : i32
      %dma_start3A_86 = tpu.memref_slice %arg2[%reduce_max3A_76, %dma_start3A_85] : memref<100000x32xf32, #tpu.memory_space<hbm>> -> memref<1x32xf32, #tpu.memory_space<hbm>>
      %dma_start3A_87 = arith.constant 0 : i32
      %dma_start3A_88 = tpu.memref_slice %arg6[%add3A_82, %dma_start3A_87] : memref<512x32xf32, #tpu.memory_space<vmem>> -> memref<1x32xf32, #tpu.memory_space<vmem>>
      %dma_start3A_89 = arith.constant 0 : i32
      %dma_start3A_90 = tpu.memref_slice %arg2[%reduce_max3A_76, %dma_start3A_89] : memref<100000x32xf32, #tpu.memory_space<hbm>> -> memref<1x32xf32, #tpu.memory_space<hbm>>
      tpu.enqueue_dma source(%dma_start3A_90 : memref<1x32xf32, #tpu.memory_space<hbm>>) target(%dma_start3A_88 : memref<1x32xf32, #tpu.memory_space<vmem>>) target_semaphore(%arg8 : memref<!tpu.dma_semaphore, #tpu.memory_space<semaphore_mem>>)
      %eq3A_91 = arith.constant 1 : i32
      %eq3A_92 = vector.broadcast %eq3A_91 : i32 to vector<16xi32>
      %eq3A_93 = arith.cmpi eq, %iota3A, %eq3A_92 : vector<16xi32>
      %jit3A_94 = arith.constant 0 : i32
      %broadcast_in_dim3A_95 = vector.broadcast %jit3A_94 : i32 to vector<16xi32>
      %select_n3A_96 = arith.select %eq3A_93, %get3A_67, %broadcast_in_dim3A_95 : vector<16xi1>, vector<16xi32>
      %reduce_max3A_97 = arith.constant true
      %reduce_max3A_98 = vector.broadcast %reduce_max3A_97 : i1 to vector<16xi1>
      %reduce_max3A_99 = arith.constant -2147483648 : i32
      %reduce_max3A_100 = vector.broadcast %reduce_max3A_99 : i32 to vector<16xi32>
      %reduce_max3A_101 = arith.xori %select_n3A_96, %reduce_max3A_100 : vector<16xi32>
      %reduce_max3A_102 = tpu.scan <max>, %reduce_max3A_101 masked %reduce_max3A_98 : vector<16xi32>, vector<16xi1> -> vector<16xi32>
      %reduce_max3A_103 = arith.xori %reduce_max3A_102, %reduce_max3A_100 : vector<16xi32>
      %reduce_max3A_104 = vector.extract %reduce_max3A_103[15] : i32 from vector<16xi32>
      %mul3A_105 = arith.constant 16 : i32
      %mul3A_106 = arith.muli %scan3A_62, %mul3A_105 : i32
      %add3A_107 = arith.constant 256 : i32
      %add3A_108 = arith.addi %add3A_107, %mul3A_106 : i32
      %add3A_109 = arith.constant 1 : i32
      %add3A_110 = arith.addi %add3A_108, %add3A_109 : i32
      %dma_start3A_111 = arith.constant 0 : i32
      %dma_start3A_112 = tpu.memref_slice %arg6[%add3A_110, %dma_start3A_111] : memref<512x32xf32, #tpu.memory_space<vmem>> -> memref<1x32xf32, #tpu.memory_space<vmem>>
      %dma_start3A_113 = arith.constant 0 : i32
      %dma_start3A_114 = tpu.memref_slice %arg2[%reduce_max3A_104, %dma_start3A_113] : memref<100000x32xf32, #tpu.memory_space<hbm>> -> memref<1x32xf32, #tpu.memory_space<hbm>>
      %dma_start3A_115 = arith.constant 0 : i32
      %dma_start3A_116 = tpu.memref_slice %arg6[%add3A_110, %dma_start3A_115] : memref<512x32xf32, #tpu.memory_space<vmem>> -> memref<1x32xf32, #tpu.memory_space<vmem>>
      %dma_start3A_117 = arith.constant 0 : i32
      %dma_start3A_118 = tpu.memref_slice %arg2[%reduce_max3A_104, %dma_start3A_117] : memref<100000x32xf32, #tpu.memory_space<hbm>> -> memref<1x32xf32, #tpu.memory_space<hbm>>
      tpu.enqueue_dma source(%dma_start3A_118 : memref<1x32xf32, #tpu.memory_space<hbm>>) target(%dma_start3A_116 : memref<1x32xf32, #tpu.memory_space<vmem>>) target_semaphore(%arg8 : memref<!tpu.dma_semaphore, #tpu.memory_space<semaphore_mem>>)
      %eq3A_119 = arith.constant 2 : i32
      %eq3A_120 = vector.broadcast %eq3A_119 : i32 to vector<16xi32>
      %eq3A_121 = arith.cmpi eq, %iota3A, %eq3A_120 : vector<16xi32>
      %jit3A_122 = arith.constant 0 : i32
      %broadcast_in_dim3A_123 = vector.broadcast %jit3A_122 : i32 to vector<16xi32>
      %select_n3A_124 = arith.select %eq3A_121, %get3A_67, %broadcast_in_dim3A_123 : vector<16xi1>, vector<16xi32>
      %reduce_max3A_125 = arith.constant true
      %reduce_max3A_126 = vector.broadcast %reduce_max3A_125 : i1 to vector<16xi1>
      %reduce_max3A_127 = arith.constant -2147483648 : i32
      %reduce_max3A_128 = vector.broadcast %reduce_max3A_127 : i32 to vector<16xi32>
      %reduce_max3A_129 = arith.xori %select_n3A_124, %reduce_max3A_128 : vector<16xi32>
      %reduce_max3A_130 = tpu.scan <max>, %reduce_max3A_129 masked %reduce_max3A_126 : vector<16xi32>, vector<16xi1> -> vector<16xi32>
      %reduce_max3A_131 = arith.xori %reduce_max3A_130, %reduce_max3A_128 : vector<16xi32>
      %reduce_max3A_132 = vector.extract %reduce_max3A_131[15] : i32 from vector<16xi32>
      %mul3A_133 = arith.constant 16 : i32
      %mul3A_134 = arith.muli %scan3A_62, %mul3A_133 : i32
      %add3A_135 = arith.constant 256 : i32
      %add3A_136 = arith.addi %add3A_135, %mul3A_134 : i32
      %add3A_137 = arith.constant 2 : i32
      %add3A_138 = arith.addi %add3A_136, %add3A_137 : i32
      %dma_start3A_139 = arith.constant 0 : i32
      %dma_start3A_140 = tpu.memref_slice %arg6[%add3A_138, %dma_start3A_139] : memref<512x32xf32, #tpu.memory_space<vmem>> -> memref<1x32xf32, #tpu.memory_space<vmem>>
      %dma_start3A_141 = arith.constant 0 : i32
      %dma_start3A_142 = tpu.memref_slice %arg2[%reduce_max3A_132, %dma_start3A_141] : memref<100000x32xf32, #tpu.memory_space<hbm>> -> memref<1x32xf32, #tpu.memory_space<hbm>>
      %dma_start3A_143 = arith.constant 0 : i32
      %dma_start3A_144 = tpu.memref_slice %arg6[%add3A_138, %dma_start3A_143] : memref<512x32xf32, #tpu.memory_space<vmem>> -> memref<1x32xf32, #tpu.memory_space<vmem>>
      %dma_start3A_145 = arith.constant 0 : i32
      %dma_start3A_146 = tpu.memref_slice %arg2[%reduce_max3A_132, %dma_start3A_145] : memref<100000x32xf32, #tpu.memory_space<hbm>> -> memref<1x32xf32, #tpu.memory_space<hbm>>
      tpu.enqueue_dma source(%dma_start3A_146 : memref<1x32xf32, #tpu.memory_space<hbm>>) target(%dma_start3A_144 : memref<1x32xf32, #tpu.memory_space<vmem>>) target_semaphore(%arg8 : memref<!tpu.dma_semaphore, #tpu.memory_space<semaphore_mem>>)
      %eq3A_147 = arith.constant 3 : i32
      %eq3A_148 = vector.broadcast %eq3A_147 : i32 to vector<16xi32>
      %eq3A_149 = arith.cmpi eq, %iota3A, %eq3A_148 : vector<16xi32>
      %jit3A_150 = arith.constant 0 : i32
      %broadcast_in_dim3A_151 = vector.broadcast %jit3A_150 : i32 to vector<16xi32>
      %select_n3A_152 = arith.select %eq3A_149, %get3A_67, %broadcast_in_dim3A_151 : vector<16xi1>, vector<16xi32>
      %reduce_max3A_153 = arith.constant true
      %reduce_max3A_154 = vector.broadcast %reduce_max3A_153 : i1 to vector<16xi1>
      %reduce_max3A_155 = arith.constant -2147483648 : i32
      %reduce_max3A_156 = vector.broadcast %reduce_max3A_155 : i32 to vector<16xi32>
      %reduce_max3A_157 = arith.xori %select_n3A_152, %reduce_max3A_156 : vector<16xi32>
      %reduce_max3A_158 = tpu.scan <max>, %reduce_max3A_157 masked %reduce_max3A_154 : vector<16xi32>, vector<16xi1> -> vector<16xi32>
      %reduce_max3A_159 = arith.xori %reduce_max3A_158, %reduce_max3A_156 : vector<16xi32>
      %reduce_max3A_160 = vector.extract %reduce_max3A_159[15] : i32 from vector<16xi32>
      %mul3A_161 = arith.constant 16 : i32
      %mul3A_162 = arith.muli %scan3A_62, %mul3A_161 : i32
      %add3A_163 = arith.constant 256 : i32
      %add3A_164 = arith.addi %add3A_163, %mul3A_162 : i32
      %add3A_165 = arith.constant 3 : i32
      %add3A_166 = arith.addi %add3A_164, %add3A_165 : i32
      %dma_start3A_167 = arith.constant 0 : i32
      %dma_start3A_168 = tpu.memref_slice %arg6[%add3A_166, %dma_start3A_167] : memref<512x32xf32, #tpu.memory_space<vmem>> -> memref<1x32xf32, #tpu.memory_space<vmem>>
      %dma_start3A_169 = arith.constant 0 : i32
      %dma_start3A_170 = tpu.memref_slice %arg2[%reduce_max3A_160, %dma_start3A_169] : memref<100000x32xf32, #tpu.memory_space<hbm>> -> memref<1x32xf32, #tpu.memory_space<hbm>>
      %dma_start3A_171 = arith.constant 0 : i32
      %dma_start3A_172 = tpu.memref_slice %arg6[%add3A_166, %dma_start3A_171] : memref<512x32xf32, #tpu.memory_space<vmem>> -> memref<1x32xf32, #tpu.memory_space<vmem>>
      %dma_start3A_173 = arith.constant 0 : i32
      %dma_start3A_174 = tpu.memref_slice %arg2[%reduce_max3A_160, %dma_start3A_173] : memref<100000x32xf32, #tpu.memory_space<hbm>> -> memref<1x32xf32, #tpu.memory_space<hbm>>
      tpu.enqueue_dma source(%dma_start3A_174 : memref<1x32xf32, #tpu.memory_space<hbm>>) target(%dma_start3A_172 : memref<1x32xf32, #tpu.memory_space<vmem>>) target_semaphore(%arg8 : memref<!tpu.dma_semaphore, #tpu.memory_space<semaphore_mem>>)
      %eq3A_175 = arith.constant 4 : i32
      %eq3A_176 = vector.broadcast %eq3A_175 : i32 to vector<16xi32>
      %eq3A_177 = arith.cmpi eq, %iota3A, %eq3A_176 : vector<16xi32>
      %jit3A_178 = arith.constant 0 : i32
      %broadcast_in_dim3A_179 = vector.broadcast %jit3A_178 : i32 to vector<16xi32>
      %select_n3A_180 = arith.select %eq3A_177, %get3A_67, %broadcast_in_dim3A_179 : vector<16xi1>, vector<16xi32>
      %reduce_max3A_181 = arith.constant true
      %reduce_max3A_182 = vector.broadcast %reduce_max3A_181 : i1 to vector<16xi1>
      %reduce_max3A_183 = arith.constant -2147483648 : i32
      %reduce_max3A_184 = vector.broadcast %reduce_max3A_183 : i32 to vector<16xi32>
      %reduce_max3A_185 = arith.xori %select_n3A_180, %reduce_max3A_184 : vector<16xi32>
      %reduce_max3A_186 = tpu.scan <max>, %reduce_max3A_185 masked %reduce_max3A_182 : vector<16xi32>, vector<16xi1> -> vector<16xi32>
      %reduce_max3A_187 = arith.xori %reduce_max3A_186, %reduce_max3A_184 : vector<16xi32>
      %reduce_max3A_188 = vector.extract %reduce_max3A_187[15] : i32 from vector<16xi32>
      %mul3A_189 = arith.constant 16 : i32
      %mul3A_190 = arith.muli %scan3A_62, %mul3A_189 : i32
      %add3A_191 = arith.constant 256 : i32
      %add3A_192 = arith.addi %add3A_191, %mul3A_190 : i32
      %add3A_193 = arith.constant 4 : i32
      %add3A_194 = arith.addi %add3A_192, %add3A_193 : i32
      %dma_start3A_195 = arith.constant 0 : i32
      %dma_start3A_196 = tpu.memref_slice %arg6[%add3A_194, %dma_start3A_195] : memref<512x32xf32, #tpu.memory_space<vmem>> -> memref<1x32xf32, #tpu.memory_space<vmem>>
      %dma_start3A_197 = arith.constant 0 : i32
      %dma_start3A_198 = tpu.memref_slice %arg2[%reduce_max3A_188, %dma_start3A_197] : memref<100000x32xf32, #tpu.memory_space<hbm>> -> memref<1x32xf32, #tpu.memory_space<hbm>>
      %dma_start3A_199 = arith.constant 0 : i32
      %dma_start3A_200 = tpu.memref_slice %arg6[%add3A_194, %dma_start3A_199] : memref<512x32xf32, #tpu.memory_space<vmem>> -> memref<1x32xf32, #tpu.memory_space<vmem>>
      %dma_start3A_201 = arith.constant 0 : i32
      %dma_start3A_202 = tpu.memref_slice %arg2[%reduce_max3A_188, %dma_start3A_201] : memref<100000x32xf32, #tpu.memory_space<hbm>> -> memref<1x32xf32, #tpu.memory_space<hbm>>
      tpu.enqueue_dma source(%dma_start3A_202 : memref<1x32xf32, #tpu.memory_space<hbm>>) target(%dma_start3A_200 : memref<1x32xf32, #tpu.memory_space<vmem>>) target_semaphore(%arg8 : memref<!tpu.dma_semaphore, #tpu.memory_space<semaphore_mem>>)
      %eq3A_203 = arith.constant 5 : i32
      %eq3A_204 = vector.broadcast %eq3A_203 : i32 to vector<16xi32>
      %eq3A_205 = arith.cmpi eq, %iota3A, %eq3A_204 : vector<16xi32>
      %jit3A_206 = arith.constant 0 : i32
      %broadcast_in_dim3A_207 = vector.broadcast %jit3A_206 : i32 to vector<16xi32>
      %select_n3A_208 = arith.select %eq3A_205, %get3A_67, %broadcast_in_dim3A_207 : vector<16xi1>, vector<16xi32>
      %reduce_max3A_209 = arith.constant true
      %reduce_max3A_210 = vector.broadcast %reduce_max3A_209 : i1 to vector<16xi1>
      %reduce_max3A_211 = arith.constant -2147483648 : i32
      %reduce_max3A_212 = vector.broadcast %reduce_max3A_211 : i32 to vector<16xi32>
      %reduce_max3A_213 = arith.xori %select_n3A_208, %reduce_max3A_212 : vector<16xi32>
      %reduce_max3A_214 = tpu.scan <max>, %reduce_max3A_213 masked %reduce_max3A_210 : vector<16xi32>, vector<16xi1> -> vector<16xi32>
      %reduce_max3A_215 = arith.xori %reduce_max3A_214, %reduce_max3A_212 : vector<16xi32>
      %reduce_max3A_216 = vector.extract %reduce_max3A_215[15] : i32 from vector<16xi32>
      %mul3A_217 = arith.constant 16 : i32
      %mul3A_218 = arith.muli %scan3A_62, %mul3A_217 : i32
      %add3A_219 = arith.constant 256 : i32
      %add3A_220 = arith.addi %add3A_219, %mul3A_218 : i32
      %add3A_221 = arith.constant 5 : i32
      %add3A_222 = arith.addi %add3A_220, %add3A_221 : i32
      %dma_start3A_223 = arith.constant 0 : i32
      %dma_start3A_224 = tpu.memref_slice %arg6[%add3A_222, %dma_start3A_223] : memref<512x32xf32, #tpu.memory_space<vmem>> -> memref<1x32xf32, #tpu.memory_space<vmem>>
      %dma_start3A_225 = arith.constant 0 : i32
      %dma_start3A_226 = tpu.memref_slice %arg2[%reduce_max3A_216, %dma_start3A_225] : memref<100000x32xf32, #tpu.memory_space<hbm>> -> memref<1x32xf32, #tpu.memory_space<hbm>>
      %dma_start3A_227 = arith.constant 0 : i32
      %dma_start3A_228 = tpu.memref_slice %arg6[%add3A_222, %dma_start3A_227] : memref<512x32xf32, #tpu.memory_space<vmem>> -> memref<1x32xf32, #tpu.memory_space<vmem>>
      %dma_start3A_229 = arith.constant 0 : i32
      %dma_start3A_230 = tpu.memref_slice %arg2[%reduce_max3A_216, %dma_start3A_229] : memref<100000x32xf32, #tpu.memory_space<hbm>> -> memref<1x32xf32, #tpu.memory_space<hbm>>
      tpu.enqueue_dma source(%dma_start3A_230 : memref<1x32xf32, #tpu.memory_space<hbm>>) target(%dma_start3A_228 : memref<1x32xf32, #tpu.memory_space<vmem>>) target_semaphore(%arg8 : memref<!tpu.dma_semaphore, #tpu.memory_space<semaphore_mem>>)
      %eq3A_231 = arith.constant 6 : i32
      %eq3A_232 = vector.broadcast %eq3A_231 : i32 to vector<16xi32>
      %eq3A_233 = arith.cmpi eq, %iota3A, %eq3A_232 : vector<16xi32>
      %jit3A_234 = arith.constant 0 : i32
      %broadcast_in_dim3A_235 = vector.broadcast %jit3A_234 : i32 to vector<16xi32>
      %select_n3A_236 = arith.select %eq3A_233, %get3A_67, %broadcast_in_dim3A_235 : vector<16xi1>, vector<16xi32>
      %reduce_max3A_237 = arith.constant true
      %reduce_max3A_238 = vector.broadcast %reduce_max3A_237 : i1 to vector<16xi1>
      %reduce_max3A_239 = arith.constant -2147483648 : i32
      %reduce_max3A_240 = vector.broadcast %reduce_max3A_239 : i32 to vector<16xi32>
      %reduce_max3A_241 = arith.xori %select_n3A_236, %reduce_max3A_240 : vector<16xi32>
      %reduce_max3A_242 = tpu.scan <max>, %reduce_max3A_241 masked %reduce_max3A_238 : vector<16xi32>, vector<16xi1> -> vector<16xi32>
      %reduce_max3A_243 = arith.xori %reduce_max3A_242, %reduce_max3A_240 : vector<16xi32>
      %reduce_max3A_244 = vector.extract %reduce_max3A_243[15] : i32 from vector<16xi32>
      %mul3A_245 = arith.constant 16 : i32
      %mul3A_246 = arith.muli %scan3A_62, %mul3A_245 : i32
      %add3A_247 = arith.constant 256 : i32
      %add3A_248 = arith.addi %add3A_247, %mul3A_246 : i32
      %add3A_249 = arith.constant 6 : i32
      %add3A_250 = arith.addi %add3A_248, %add3A_249 : i32
      %dma_start3A_251 = arith.constant 0 : i32
      %dma_start3A_252 = tpu.memref_slice %arg6[%add3A_250, %dma_start3A_251] : memref<512x32xf32, #tpu.memory_space<vmem>> -> memref<1x32xf32, #tpu.memory_space<vmem>>
      %dma_start3A_253 = arith.constant 0 : i32
      %dma_start3A_254 = tpu.memref_slice %arg2[%reduce_max3A_244, %dma_start3A_253] : memref<100000x32xf32, #tpu.memory_space<hbm>> -> memref<1x32xf32, #tpu.memory_space<hbm>>
      %dma_start3A_255 = arith.constant 0 : i32
      %dma_start3A_256 = tpu.memref_slice %arg6[%add3A_250, %dma_start3A_255] : memref<512x32xf32, #tpu.memory_space<vmem>> -> memref<1x32xf32, #tpu.memory_space<vmem>>
      %dma_start3A_257 = arith.constant 0 : i32
      %dma_start3A_258 = tpu.memref_slice %arg2[%reduce_max3A_244, %dma_start3A_257] : memref<100000x32xf32, #tpu.memory_space<hbm>> -> memref<1x32xf32, #tpu.memory_space<hbm>>
      tpu.enqueue_dma source(%dma_start3A_258 : memref<1x32xf32, #tpu.memory_space<hbm>>) target(%dma_start3A_256 : memref<1x32xf32, #tpu.memory_space<vmem>>) target_semaphore(%arg8 : memref<!tpu.dma_semaphore, #tpu.memory_space<semaphore_mem>>)
      %eq3A_259 = arith.constant 7 : i32
      %eq3A_260 = vector.broadcast %eq3A_259 : i32 to vector<16xi32>
      %eq3A_261 = arith.cmpi eq, %iota3A, %eq3A_260 : vector<16xi32>
      %jit3A_262 = arith.constant 0 : i32
      %broadcast_in_dim3A_263 = vector.broadcast %jit3A_262 : i32 to vector<16xi32>
      %select_n3A_264 = arith.select %eq3A_261, %get3A_67, %broadcast_in_dim3A_263 : vector<16xi1>, vector<16xi32>
      %reduce_max3A_265 = arith.constant true
      %reduce_max3A_266 = vector.broadcast %reduce_max3A_265 : i1 to vector<16xi1>
      %reduce_max3A_267 = arith.constant -2147483648 : i32
      %reduce_max3A_268 = vector.broadcast %reduce_max3A_267 : i32 to vector<16xi32>
      %reduce_max3A_269 = arith.xori %select_n3A_264, %reduce_max3A_268 : vector<16xi32>
      %reduce_max3A_270 = tpu.scan <max>, %reduce_max3A_269 masked %reduce_max3A_266 : vector<16xi32>, vector<16xi1> -> vector<16xi32>
      %reduce_max3A_271 = arith.xori %reduce_max3A_270, %reduce_max3A_268 : vector<16xi32>
      %reduce_max3A_272 = vector.extract %reduce_max3A_271[15] : i32 from vector<16xi32>
      %mul3A_273 = arith.constant 16 : i32
      %mul3A_274 = arith.muli %scan3A_62, %mul3A_273 : i32
      %add3A_275 = arith.constant 256 : i32
      %add3A_276 = arith.addi %add3A_275, %mul3A_274 : i32
      %add3A_277 = arith.constant 7 : i32
      %add3A_278 = arith.addi %add3A_276, %add3A_277 : i32
      %dma_start3A_279 = arith.constant 0 : i32
      %dma_start3A_280 = tpu.memref_slice %arg6[%add3A_278, %dma_start3A_279] : memref<512x32xf32, #tpu.memory_space<vmem>> -> memref<1x32xf32, #tpu.memory_space<vmem>>
      %dma_start3A_281 = arith.constant 0 : i32
      %dma_start3A_282 = tpu.memref_slice %arg2[%reduce_max3A_272, %dma_start3A_281] : memref<100000x32xf32, #tpu.memory_space<hbm>> -> memref<1x32xf32, #tpu.memory_space<hbm>>
      %dma_start3A_283 = arith.constant 0 : i32
      %dma_start3A_284 = tpu.memref_slice %arg6[%add3A_278, %dma_start3A_283] : memref<512x32xf32, #tpu.memory_space<vmem>> -> memref<1x32xf32, #tpu.memory_space<vmem>>
      %dma_start3A_285 = arith.constant 0 : i32
      %dma_start3A_286 = tpu.memref_slice %arg2[%reduce_max3A_272, %dma_start3A_285] : memref<100000x32xf32, #tpu.memory_space<hbm>> -> memref<1x32xf32, #tpu.memory_space<hbm>>
      tpu.enqueue_dma source(%dma_start3A_286 : memref<1x32xf32, #tpu.memory_space<hbm>>) target(%dma_start3A_284 : memref<1x32xf32, #tpu.memory_space<vmem>>) target_semaphore(%arg8 : memref<!tpu.dma_semaphore, #tpu.memory_space<semaphore_mem>>)
      %eq3A_287 = arith.constant 8 : i32
      %eq3A_288 = vector.broadcast %eq3A_287 : i32 to vector<16xi32>
      %eq3A_289 = arith.cmpi eq, %iota3A, %eq3A_288 : vector<16xi32>
      %jit3A_290 = arith.constant 0 : i32
      %broadcast_in_dim3A_291 = vector.broadcast %jit3A_290 : i32 to vector<16xi32>
      %select_n3A_292 = arith.select %eq3A_289, %get3A_67, %broadcast_in_dim3A_291 : vector<16xi1>, vector<16xi32>
      %reduce_max3A_293 = arith.constant true
      %reduce_max3A_294 = vector.broadcast %reduce_max3A_293 : i1 to vector<16xi1>
      %reduce_max3A_295 = arith.constant -2147483648 : i32
      %reduce_max3A_296 = vector.broadcast %reduce_max3A_295 : i32 to vector<16xi32>
      %reduce_max3A_297 = arith.xori %select_n3A_292, %reduce_max3A_296 : vector<16xi32>
      %reduce_max3A_298 = tpu.scan <max>, %reduce_max3A_297 masked %reduce_max3A_294 : vector<16xi32>, vector<16xi1> -> vector<16xi32>
      %reduce_max3A_299 = arith.xori %reduce_max3A_298, %reduce_max3A_296 : vector<16xi32>
      %reduce_max3A_300 = vector.extract %reduce_max3A_299[15] : i32 from vector<16xi32>
      %mul3A_301 = arith.constant 16 : i32
      %mul3A_302 = arith.muli %scan3A_62, %mul3A_301 : i32
      %add3A_303 = arith.constant 256 : i32
      %add3A_304 = arith.addi %add3A_303, %mul3A_302 : i32
      %add3A_305 = arith.constant 8 : i32
      %add3A_306 = arith.addi %add3A_304, %add3A_305 : i32
      %dma_start3A_307 = arith.constant 0 : i32
      %dma_start3A_308 = tpu.memref_slice %arg6[%add3A_306, %dma_start3A_307] : memref<512x32xf32, #tpu.memory_space<vmem>> -> memref<1x32xf32, #tpu.memory_space<vmem>>
      %dma_start3A_309 = arith.constant 0 : i32
      %dma_start3A_310 = tpu.memref_slice %arg2[%reduce_max3A_300, %dma_start3A_309] : memref<100000x32xf32, #tpu.memory_space<hbm>> -> memref<1x32xf32, #tpu.memory_space<hbm>>
      %dma_start3A_311 = arith.constant 0 : i32
      %dma_start3A_312 = tpu.memref_slice %arg6[%add3A_306, %dma_start3A_311] : memref<512x32xf32, #tpu.memory_space<vmem>> -> memref<1x32xf32, #tpu.memory_space<vmem>>
      %dma_start3A_313 = arith.constant 0 : i32
      %dma_start3A_314 = tpu.memref_slice %arg2[%reduce_max3A_300, %dma_start3A_313] : memref<100000x32xf32, #tpu.memory_space<hbm>> -> memref<1x32xf32, #tpu.memory_space<hbm>>
      tpu.enqueue_dma source(%dma_start3A_314 : memref<1x32xf32, #tpu.memory_space<hbm>>) target(%dma_start3A_312 : memref<1x32xf32, #tpu.memory_space<vmem>>) target_semaphore(%arg8 : memref<!tpu.dma_semaphore, #tpu.memory_space<semaphore_mem>>)
      %eq3A_315 = arith.constant 9 : i32
      %eq3A_316 = vector.broadcast %eq3A_315 : i32 to vector<16xi32>
      %eq3A_317 = arith.cmpi eq, %iota3A, %eq3A_316 : vector<16xi32>
      %jit3A_318 = arith.constant 0 : i32
      %broadcast_in_dim3A_319 = vector.broadcast %jit3A_318 : i32 to vector<16xi32>
      %select_n3A_320 = arith.select %eq3A_317, %get3A_67, %broadcast_in_dim3A_319 : vector<16xi1>, vector<16xi32>
      %reduce_max3A_321 = arith.constant true
      %reduce_max3A_322 = vector.broadcast %reduce_max3A_321 : i1 to vector<16xi1>
      %reduce_max3A_323 = arith.constant -2147483648 : i32
      %reduce_max3A_324 = vector.broadcast %reduce_max3A_323 : i32 to vector<16xi32>
      %reduce_max3A_325 = arith.xori %select_n3A_320, %reduce_max3A_324 : vector<16xi32>
      %reduce_max3A_326 = tpu.scan <max>, %reduce_max3A_325 masked %reduce_max3A_322 : vector<16xi32>, vector<16xi1> -> vector<16xi32>
      %reduce_max3A_327 = arith.xori %reduce_max3A_326, %reduce_max3A_324 : vector<16xi32>
      %reduce_max3A_328 = vector.extract %reduce_max3A_327[15] : i32 from vector<16xi32>
      %mul3A_329 = arith.constant 16 : i32
      %mul3A_330 = arith.muli %scan3A_62, %mul3A_329 : i32
      %add3A_331 = arith.constant 256 : i32
      %add3A_332 = arith.addi %add3A_331, %mul3A_330 : i32
      %add3A_333 = arith.constant 9 : i32
      %add3A_334 = arith.addi %add3A_332, %add3A_333 : i32
      %dma_start3A_335 = arith.constant 0 : i32
      %dma_start3A_336 = tpu.memref_slice %arg6[%add3A_334, %dma_start3A_335] : memref<512x32xf32, #tpu.memory_space<vmem>> -> memref<1x32xf32, #tpu.memory_space<vmem>>
      %dma_start3A_337 = arith.constant 0 : i32
      %dma_start3A_338 = tpu.memref_slice %arg2[%reduce_max3A_328, %dma_start3A_337] : memref<100000x32xf32, #tpu.memory_space<hbm>> -> memref<1x32xf32, #tpu.memory_space<hbm>>
      %dma_start3A_339 = arith.constant 0 : i32
      %dma_start3A_340 = tpu.memref_slice %arg6[%add3A_334, %dma_start3A_339] : memref<512x32xf32, #tpu.memory_space<vmem>> -> memref<1x32xf32, #tpu.memory_space<vmem>>
      %dma_start3A_341 = arith.constant 0 : i32
      %dma_start3A_342 = tpu.memref_slice %arg2[%reduce_max3A_328, %dma_start3A_341] : memref<100000x32xf32, #tpu.memory_space<hbm>> -> memref<1x32xf32, #tpu.memory_space<hbm>>
      tpu.enqueue_dma source(%dma_start3A_342 : memref<1x32xf32, #tpu.memory_space<hbm>>) target(%dma_start3A_340 : memref<1x32xf32, #tpu.memory_space<vmem>>) target_semaphore(%arg8 : memref<!tpu.dma_semaphore, #tpu.memory_space<semaphore_mem>>)
      %eq3A_343 = arith.constant 10 : i32
      %eq3A_344 = vector.broadcast %eq3A_343 : i32 to vector<16xi32>
      %eq3A_345 = arith.cmpi eq, %iota3A, %eq3A_344 : vector<16xi32>
      %jit3A_346 = arith.constant 0 : i32
      %broadcast_in_dim3A_347 = vector.broadcast %jit3A_346 : i32 to vector<16xi32>
      %select_n3A_348 = arith.select %eq3A_345, %get3A_67, %broadcast_in_dim3A_347 : vector<16xi1>, vector<16xi32>
      %reduce_max3A_349 = arith.constant true
      %reduce_max3A_350 = vector.broadcast %reduce_max3A_349 : i1 to vector<16xi1>
      %reduce_max3A_351 = arith.constant -2147483648 : i32
      %reduce_max3A_352 = vector.broadcast %reduce_max3A_351 : i32 to vector<16xi32>
      %reduce_max3A_353 = arith.xori %select_n3A_348, %reduce_max3A_352 : vector<16xi32>
      %reduce_max3A_354 = tpu.scan <max>, %reduce_max3A_353 masked %reduce_max3A_350 : vector<16xi32>, vector<16xi1> -> vector<16xi32>
      %reduce_max3A_355 = arith.xori %reduce_max3A_354, %reduce_max3A_352 : vector<16xi32>
      %reduce_max3A_356 = vector.extract %reduce_max3A_355[15] : i32 from vector<16xi32>
      %mul3A_357 = arith.constant 16 : i32
      %mul3A_358 = arith.muli %scan3A_62, %mul3A_357 : i32
      %add3A_359 = arith.constant 256 : i32
      %add3A_360 = arith.addi %add3A_359, %mul3A_358 : i32
      %add3A_361 = arith.constant 10 : i32
      %add3A_362 = arith.addi %add3A_360, %add3A_361 : i32
      %dma_start3A_363 = arith.constant 0 : i32
      %dma_start3A_364 = tpu.memref_slice %arg6[%add3A_362, %dma_start3A_363] : memref<512x32xf32, #tpu.memory_space<vmem>> -> memref<1x32xf32, #tpu.memory_space<vmem>>
      %dma_start3A_365 = arith.constant 0 : i32
      %dma_start3A_366 = tpu.memref_slice %arg2[%reduce_max3A_356, %dma_start3A_365] : memref<100000x32xf32, #tpu.memory_space<hbm>> -> memref<1x32xf32, #tpu.memory_space<hbm>>
      %dma_start3A_367 = arith.constant 0 : i32
      %dma_start3A_368 = tpu.memref_slice %arg6[%add3A_362, %dma_start3A_367] : memref<512x32xf32, #tpu.memory_space<vmem>> -> memref<1x32xf32, #tpu.memory_space<vmem>>
      %dma_start3A_369 = arith.constant 0 : i32
      %dma_start3A_370 = tpu.memref_slice %arg2[%reduce_max3A_356, %dma_start3A_369] : memref<100000x32xf32, #tpu.memory_space<hbm>> -> memref<1x32xf32, #tpu.memory_space<hbm>>
      tpu.enqueue_dma source(%dma_start3A_370 : memref<1x32xf32, #tpu.memory_space<hbm>>) target(%dma_start3A_368 : memref<1x32xf32, #tpu.memory_space<vmem>>) target_semaphore(%arg8 : memref<!tpu.dma_semaphore, #tpu.memory_space<semaphore_mem>>)
      %eq3A_371 = arith.constant 11 : i32
      %eq3A_372 = vector.broadcast %eq3A_371 : i32 to vector<16xi32>
      %eq3A_373 = arith.cmpi eq, %iota3A, %eq3A_372 : vector<16xi32>
      %jit3A_374 = arith.constant 0 : i32
      %broadcast_in_dim3A_375 = vector.broadcast %jit3A_374 : i32 to vector<16xi32>
      %select_n3A_376 = arith.select %eq3A_373, %get3A_67, %broadcast_in_dim3A_375 : vector<16xi1>, vector<16xi32>
      %reduce_max3A_377 = arith.constant true
      %reduce_max3A_378 = vector.broadcast %reduce_max3A_377 : i1 to vector<16xi1>
      %reduce_max3A_379 = arith.constant -2147483648 : i32
      %reduce_max3A_380 = vector.broadcast %reduce_max3A_379 : i32 to vector<16xi32>
      %reduce_max3A_381 = arith.xori %select_n3A_376, %reduce_max3A_380 : vector<16xi32>
      %reduce_max3A_382 = tpu.scan <max>, %reduce_max3A_381 masked %reduce_max3A_378 : vector<16xi32>, vector<16xi1> -> vector<16xi32>
      %reduce_max3A_383 = arith.xori %reduce_max3A_382, %reduce_max3A_380 : vector<16xi32>
      %reduce_max3A_384 = vector.extract %reduce_max3A_383[15] : i32 from vector<16xi32>
      %mul3A_385 = arith.constant 16 : i32
      %mul3A_386 = arith.muli %scan3A_62, %mul3A_385 : i32
      %add3A_387 = arith.constant 256 : i32
      %add3A_388 = arith.addi %add3A_387, %mul3A_386 : i32
      %add3A_389 = arith.constant 11 : i32
      %add3A_390 = arith.addi %add3A_388, %add3A_389 : i32
      %dma_start3A_391 = arith.constant 0 : i32
      %dma_start3A_392 = tpu.memref_slice %arg6[%add3A_390, %dma_start3A_391] : memref<512x32xf32, #tpu.memory_space<vmem>> -> memref<1x32xf32, #tpu.memory_space<vmem>>
      %dma_start3A_393 = arith.constant 0 : i32
      %dma_start3A_394 = tpu.memref_slice %arg2[%reduce_max3A_384, %dma_start3A_393] : memref<100000x32xf32, #tpu.memory_space<hbm>> -> memref<1x32xf32, #tpu.memory_space<hbm>>
      %dma_start3A_395 = arith.constant 0 : i32
      %dma_start3A_396 = tpu.memref_slice %arg6[%add3A_390, %dma_start3A_395] : memref<512x32xf32, #tpu.memory_space<vmem>> -> memref<1x32xf32, #tpu.memory_space<vmem>>
      %dma_start3A_397 = arith.constant 0 : i32
      %dma_start3A_398 = tpu.memref_slice %arg2[%reduce_max3A_384, %dma_start3A_397] : memref<100000x32xf32, #tpu.memory_space<hbm>> -> memref<1x32xf32, #tpu.memory_space<hbm>>
      tpu.enqueue_dma source(%dma_start3A_398 : memref<1x32xf32, #tpu.memory_space<hbm>>) target(%dma_start3A_396 : memref<1x32xf32, #tpu.memory_space<vmem>>) target_semaphore(%arg8 : memref<!tpu.dma_semaphore, #tpu.memory_space<semaphore_mem>>)
      %eq3A_399 = arith.constant 12 : i32
      %eq3A_400 = vector.broadcast %eq3A_399 : i32 to vector<16xi32>
      %eq3A_401 = arith.cmpi eq, %iota3A, %eq3A_400 : vector<16xi32>
      %jit3A_402 = arith.constant 0 : i32
      %broadcast_in_dim3A_403 = vector.broadcast %jit3A_402 : i32 to vector<16xi32>
      %select_n3A_404 = arith.select %eq3A_401, %get3A_67, %broadcast_in_dim3A_403 : vector<16xi1>, vector<16xi32>
      %reduce_max3A_405 = arith.constant true
      %reduce_max3A_406 = vector.broadcast %reduce_max3A_405 : i1 to vector<16xi1>
      %reduce_max3A_407 = arith.constant -2147483648 : i32
      %reduce_max3A_408 = vector.broadcast %reduce_max3A_407 : i32 to vector<16xi32>
      %reduce_max3A_409 = arith.xori %select_n3A_404, %reduce_max3A_408 : vector<16xi32>
      %reduce_max3A_410 = tpu.scan <max>, %reduce_max3A_409 masked %reduce_max3A_406 : vector<16xi32>, vector<16xi1> -> vector<16xi32>
      %reduce_max3A_411 = arith.xori %reduce_max3A_410, %reduce_max3A_408 : vector<16xi32>
      %reduce_max3A_412 = vector.extract %reduce_max3A_411[15] : i32 from vector<16xi32>
      %mul3A_413 = arith.constant 16 : i32
      %mul3A_414 = arith.muli %scan3A_62, %mul3A_413 : i32
      %add3A_415 = arith.constant 256 : i32
      %add3A_416 = arith.addi %add3A_415, %mul3A_414 : i32
      %add3A_417 = arith.constant 12 : i32
      %add3A_418 = arith.addi %add3A_416, %add3A_417 : i32
      %dma_start3A_419 = arith.constant 0 : i32
      %dma_start3A_420 = tpu.memref_slice %arg6[%add3A_418, %dma_start3A_419] : memref<512x32xf32, #tpu.memory_space<vmem>> -> memref<1x32xf32, #tpu.memory_space<vmem>>
      %dma_start3A_421 = arith.constant 0 : i32
      %dma_start3A_422 = tpu.memref_slice %arg2[%reduce_max3A_412, %dma_start3A_421] : memref<100000x32xf32, #tpu.memory_space<hbm>> -> memref<1x32xf32, #tpu.memory_space<hbm>>
      %dma_start3A_423 = arith.constant 0 : i32
      %dma_start3A_424 = tpu.memref_slice %arg6[%add3A_418, %dma_start3A_423] : memref<512x32xf32, #tpu.memory_space<vmem>> -> memref<1x32xf32, #tpu.memory_space<vmem>>
      %dma_start3A_425 = arith.constant 0 : i32
      %dma_start3A_426 = tpu.memref_slice %arg2[%reduce_max3A_412, %dma_start3A_425] : memref<100000x32xf32, #tpu.memory_space<hbm>> -> memref<1x32xf32, #tpu.memory_space<hbm>>
      tpu.enqueue_dma source(%dma_start3A_426 : memref<1x32xf32, #tpu.memory_space<hbm>>) target(%dma_start3A_424 : memref<1x32xf32, #tpu.memory_space<vmem>>) target_semaphore(%arg8 : memref<!tpu.dma_semaphore, #tpu.memory_space<semaphore_mem>>)
      %eq3A_427 = arith.constant 13 : i32
      %eq3A_428 = vector.broadcast %eq3A_427 : i32 to vector<16xi32>
      %eq3A_429 = arith.cmpi eq, %iota3A, %eq3A_428 : vector<16xi32>
      %jit3A_430 = arith.constant 0 : i32
      %broadcast_in_dim3A_431 = vector.broadcast %jit3A_430 : i32 to vector<16xi32>
      %select_n3A_432 = arith.select %eq3A_429, %get3A_67, %broadcast_in_dim3A_431 : vector<16xi1>, vector<16xi32>
      %reduce_max3A_433 = arith.constant true
      %reduce_max3A_434 = vector.broadcast %reduce_max3A_433 : i1 to vector<16xi1>
      %reduce_max3A_435 = arith.constant -2147483648 : i32
      %reduce_max3A_436 = vector.broadcast %reduce_max3A_435 : i32 to vector<16xi32>
      %reduce_max3A_437 = arith.xori %select_n3A_432, %reduce_max3A_436 : vector<16xi32>
      %reduce_max3A_438 = tpu.scan <max>, %reduce_max3A_437 masked %reduce_max3A_434 : vector<16xi32>, vector<16xi1> -> vector<16xi32>
      %reduce_max3A_439 = arith.xori %reduce_max3A_438, %reduce_max3A_436 : vector<16xi32>
      %reduce_max3A_440 = vector.extract %reduce_max3A_439[15] : i32 from vector<16xi32>
      %mul3A_441 = arith.constant 16 : i32
      %mul3A_442 = arith.muli %scan3A_62, %mul3A_441 : i32
      %add3A_443 = arith.constant 256 : i32
      %add3A_444 = arith.addi %add3A_443, %mul3A_442 : i32
      %add3A_445 = arith.constant 13 : i32
      %add3A_446 = arith.addi %add3A_444, %add3A_445 : i32
      %dma_start3A_447 = arith.constant 0 : i32
      %dma_start3A_448 = tpu.memref_slice %arg6[%add3A_446, %dma_start3A_447] : memref<512x32xf32, #tpu.memory_space<vmem>> -> memref<1x32xf32, #tpu.memory_space<vmem>>
      %dma_start3A_449 = arith.constant 0 : i32
      %dma_start3A_450 = tpu.memref_slice %arg2[%reduce_max3A_440, %dma_start3A_449] : memref<100000x32xf32, #tpu.memory_space<hbm>> -> memref<1x32xf32, #tpu.memory_space<hbm>>
      %dma_start3A_451 = arith.constant 0 : i32
      %dma_start3A_452 = tpu.memref_slice %arg6[%add3A_446, %dma_start3A_451] : memref<512x32xf32, #tpu.memory_space<vmem>> -> memref<1x32xf32, #tpu.memory_space<vmem>>
      %dma_start3A_453 = arith.constant 0 : i32
      %dma_start3A_454 = tpu.memref_slice %arg2[%reduce_max3A_440, %dma_start3A_453] : memref<100000x32xf32, #tpu.memory_space<hbm>> -> memref<1x32xf32, #tpu.memory_space<hbm>>
      tpu.enqueue_dma source(%dma_start3A_454 : memref<1x32xf32, #tpu.memory_space<hbm>>) target(%dma_start3A_452 : memref<1x32xf32, #tpu.memory_space<vmem>>) target_semaphore(%arg8 : memref<!tpu.dma_semaphore, #tpu.memory_space<semaphore_mem>>)
      %eq3A_455 = arith.constant 14 : i32
      %eq3A_456 = vector.broadcast %eq3A_455 : i32 to vector<16xi32>
      %eq3A_457 = arith.cmpi eq, %iota3A, %eq3A_456 : vector<16xi32>
      %jit3A_458 = arith.constant 0 : i32
      %broadcast_in_dim3A_459 = vector.broadcast %jit3A_458 : i32 to vector<16xi32>
      %select_n3A_460 = arith.select %eq3A_457, %get3A_67, %broadcast_in_dim3A_459 : vector<16xi1>, vector<16xi32>
      %reduce_max3A_461 = arith.constant true
      %reduce_max3A_462 = vector.broadcast %reduce_max3A_461 : i1 to vector<16xi1>
      %reduce_max3A_463 = arith.constant -2147483648 : i32
      %reduce_max3A_464 = vector.broadcast %reduce_max3A_463 : i32 to vector<16xi32>
      %reduce_max3A_465 = arith.xori %select_n3A_460, %reduce_max3A_464 : vector<16xi32>
      %reduce_max3A_466 = tpu.scan <max>, %reduce_max3A_465 masked %reduce_max3A_462 : vector<16xi32>, vector<16xi1> -> vector<16xi32>
      %reduce_max3A_467 = arith.xori %reduce_max3A_466, %reduce_max3A_464 : vector<16xi32>
      %reduce_max3A_468 = vector.extract %reduce_max3A_467[15] : i32 from vector<16xi32>
      %mul3A_469 = arith.constant 16 : i32
      %mul3A_470 = arith.muli %scan3A_62, %mul3A_469 : i32
      %add3A_471 = arith.constant 256 : i32
      %add3A_472 = arith.addi %add3A_471, %mul3A_470 : i32
      %add3A_473 = arith.constant 14 : i32
      %add3A_474 = arith.addi %add3A_472, %add3A_473 : i32
      %dma_start3A_475 = arith.constant 0 : i32
      %dma_start3A_476 = tpu.memref_slice %arg6[%add3A_474, %dma_start3A_475] : memref<512x32xf32, #tpu.memory_space<vmem>> -> memref<1x32xf32, #tpu.memory_space<vmem>>
      %dma_start3A_477 = arith.constant 0 : i32
      %dma_start3A_478 = tpu.memref_slice %arg2[%reduce_max3A_468, %dma_start3A_477] : memref<100000x32xf32, #tpu.memory_space<hbm>> -> memref<1x32xf32, #tpu.memory_space<hbm>>
      %dma_start3A_479 = arith.constant 0 : i32
      %dma_start3A_480 = tpu.memref_slice %arg6[%add3A_474, %dma_start3A_479] : memref<512x32xf32, #tpu.memory_space<vmem>> -> memref<1x32xf32, #tpu.memory_space<vmem>>
      %dma_start3A_481 = arith.constant 0 : i32
      %dma_start3A_482 = tpu.memref_slice %arg2[%reduce_max3A_468, %dma_start3A_481] : memref<100000x32xf32, #tpu.memory_space<hbm>> -> memref<1x32xf32, #tpu.memory_space<hbm>>
      tpu.enqueue_dma source(%dma_start3A_482 : memref<1x32xf32, #tpu.memory_space<hbm>>) target(%dma_start3A_480 : memref<1x32xf32, #tpu.memory_space<vmem>>) target_semaphore(%arg8 : memref<!tpu.dma_semaphore, #tpu.memory_space<semaphore_mem>>)
      %eq3A_483 = arith.constant 15 : i32
      %eq3A_484 = vector.broadcast %eq3A_483 : i32 to vector<16xi32>
      %eq3A_485 = arith.cmpi eq, %iota3A, %eq3A_484 : vector<16xi32>
      %jit3A_486 = arith.constant 0 : i32
      %broadcast_in_dim3A_487 = vector.broadcast %jit3A_486 : i32 to vector<16xi32>
      %select_n3A_488 = arith.select %eq3A_485, %get3A_67, %broadcast_in_dim3A_487 : vector<16xi1>, vector<16xi32>
      %reduce_max3A_489 = arith.constant true
      %reduce_max3A_490 = vector.broadcast %reduce_max3A_489 : i1 to vector<16xi1>
      %reduce_max3A_491 = arith.constant -2147483648 : i32
      %reduce_max3A_492 = vector.broadcast %reduce_max3A_491 : i32 to vector<16xi32>
      %reduce_max3A_493 = arith.xori %select_n3A_488, %reduce_max3A_492 : vector<16xi32>
      %reduce_max3A_494 = tpu.scan <max>, %reduce_max3A_493 masked %reduce_max3A_490 : vector<16xi32>, vector<16xi1> -> vector<16xi32>
      %reduce_max3A_495 = arith.xori %reduce_max3A_494, %reduce_max3A_492 : vector<16xi32>
      %reduce_max3A_496 = vector.extract %reduce_max3A_495[15] : i32 from vector<16xi32>
      %mul3A_497 = arith.constant 16 : i32
      %mul3A_498 = arith.muli %scan3A_62, %mul3A_497 : i32
      %add3A_499 = arith.constant 256 : i32
      %add3A_500 = arith.addi %add3A_499, %mul3A_498 : i32
      %add3A_501 = arith.constant 15 : i32
      %add3A_502 = arith.addi %add3A_500, %add3A_501 : i32
      %dma_start3A_503 = arith.constant 0 : i32
      %dma_start3A_504 = tpu.memref_slice %arg6[%add3A_502, %dma_start3A_503] : memref<512x32xf32, #tpu.memory_space<vmem>> -> memref<1x32xf32, #tpu.memory_space<vmem>>
      %dma_start3A_505 = arith.constant 0 : i32
      %dma_start3A_506 = tpu.memref_slice %arg2[%reduce_max3A_496, %dma_start3A_505] : memref<100000x32xf32, #tpu.memory_space<hbm>> -> memref<1x32xf32, #tpu.memory_space<hbm>>
      %dma_start3A_507 = arith.constant 0 : i32
      %dma_start3A_508 = tpu.memref_slice %arg6[%add3A_502, %dma_start3A_507] : memref<512x32xf32, #tpu.memory_space<vmem>> -> memref<1x32xf32, #tpu.memory_space<vmem>>
      %dma_start3A_509 = arith.constant 0 : i32
      %dma_start3A_510 = tpu.memref_slice %arg2[%reduce_max3A_496, %dma_start3A_509] : memref<100000x32xf32, #tpu.memory_space<hbm>> -> memref<1x32xf32, #tpu.memory_space<hbm>>
      tpu.enqueue_dma source(%dma_start3A_510 : memref<1x32xf32, #tpu.memory_space<hbm>>) target(%dma_start3A_508 : memref<1x32xf32, #tpu.memory_space<vmem>>) target_semaphore(%arg8 : memref<!tpu.dma_semaphore, #tpu.memory_space<semaphore_mem>>)
    }
    %scan3A_13 = arith.constant 16 : i32
    %dma_wait3A = arith.constant 0 : i32
    %dma_wait3A_14 = arith.constant 0 : i32
    %dma_wait3A_15 = tpu.memref_slice %arg6[%dma_wait3A, %dma_wait3A_14] : memref<512x32xf32, #tpu.memory_space<vmem>> -> memref<256x32xf32, #tpu.memory_space<vmem>>
    %dma_wait3A_16 = arith.constant 0 : i32
    %dma_wait3A_17 = arith.constant 0 : i32
    %dma_wait3A_18 = tpu.memref_slice %arg2[%dma_wait3A_16, %dma_wait3A_17] : memref<100000x32xf32, #tpu.memory_space<hbm>> -> memref<256x32xf32, #tpu.memory_space<hbm>>
    %dma_wait3A_19 = arith.constant 0 : i32
    %dma_wait3A_20 = arith.constant 0 : i32
    %dma_wait3A_21 = tpu.memref_slice %arg6[%dma_wait3A_19, %dma_wait3A_20] : memref<512x32xf32, #tpu.memory_space<vmem>> -> memref<256x32xf32, #tpu.memory_space<vmem>>
    %dma_wait3A_22 = arith.constant 0 : i32
    %dma_wait3A_23 = arith.constant 0 : i32
    %dma_wait3A_24 = tpu.memref_slice %arg2[%dma_wait3A_22, %dma_wait3A_23] : memref<100000x32xf32, #tpu.memory_space<hbm>> -> memref<256x32xf32, #tpu.memory_space<hbm>>
    tpu.wait_dma2 semaphore(%arg7 : memref<!tpu.dma_semaphore, #tpu.memory_space<semaphore_mem>>) src(%dma_wait3A_24 : memref<256x32xf32, #tpu.memory_space<hbm>>) dst(%dma_wait3A_21 : memref<256x32xf32, #tpu.memory_space<vmem>>)
    %dma_start3A = arith.constant 0 : i32
    %dma_start3A_25 = arith.constant 0 : i32
    %dma_start3A_26 = tpu.memref_slice %arg6[%dma_start3A, %dma_start3A_25] : memref<512x32xf32, #tpu.memory_space<vmem>> -> memref<256x32xf32, #tpu.memory_space<vmem>>
    %dma_start3A_27 = arith.constant 0 : i32
    %dma_start3A_28 = tpu.memref_slice %arg4[%mul3A_2, %dma_start3A_27] : memref<16384x32xf32, #tpu.memory_space<hbm>> -> memref<256x32xf32, #tpu.memory_space<hbm>>
    %dma_start3A_29 = arith.constant 0 : i32
    %dma_start3A_30 = tpu.memref_slice %arg4[%mul3A_2, %dma_start3A_29] : memref<16384x32xf32, #tpu.memory_space<hbm>> -> memref<256x32xf32, #tpu.memory_space<hbm>>
    %dma_start3A_31 = arith.constant 0 : i32
    %dma_start3A_32 = arith.constant 0 : i32
    %dma_start3A_33 = tpu.memref_slice %arg6[%dma_start3A_31, %dma_start3A_32] : memref<512x32xf32, #tpu.memory_space<vmem>> -> memref<256x32xf32, #tpu.memory_space<vmem>>
    tpu.enqueue_dma source(%dma_start3A_33 : memref<256x32xf32, #tpu.memory_space<vmem>>) target(%dma_start3A_30 : memref<256x32xf32, #tpu.memory_space<hbm>>) target_semaphore(%arg9 : memref<!tpu.dma_semaphore, #tpu.memory_space<semaphore_mem>>)
    %dma_wait3A_34 = arith.constant 256 : i32
    %dma_wait3A_35 = arith.constant 0 : i32
    %dma_wait3A_36 = tpu.memref_slice %arg6[%dma_wait3A_34, %dma_wait3A_35] : memref<512x32xf32, #tpu.memory_space<vmem>> -> memref<256x32xf32, #tpu.memory_space<vmem>>
    %dma_wait3A_37 = arith.constant 0 : i32
    %dma_wait3A_38 = arith.constant 0 : i32
    %dma_wait3A_39 = tpu.memref_slice %arg2[%dma_wait3A_37, %dma_wait3A_38] : memref<100000x32xf32, #tpu.memory_space<hbm>> -> memref<256x32xf32, #tpu.memory_space<hbm>>
    %dma_wait3A_40 = arith.constant 256 : i32
    %dma_wait3A_41 = arith.constant 0 : i32
    %dma_wait3A_42 = tpu.memref_slice %arg6[%dma_wait3A_40, %dma_wait3A_41] : memref<512x32xf32, #tpu.memory_space<vmem>> -> memref<256x32xf32, #tpu.memory_space<vmem>>
    %dma_wait3A_43 = arith.constant 0 : i32
    %dma_wait3A_44 = arith.constant 0 : i32
    %dma_wait3A_45 = tpu.memref_slice %arg2[%dma_wait3A_43, %dma_wait3A_44] : memref<100000x32xf32, #tpu.memory_space<hbm>> -> memref<256x32xf32, #tpu.memory_space<hbm>>
    tpu.wait_dma2 semaphore(%arg8 : memref<!tpu.dma_semaphore, #tpu.memory_space<semaphore_mem>>) src(%dma_wait3A_45 : memref<256x32xf32, #tpu.memory_space<hbm>>) dst(%dma_wait3A_42 : memref<256x32xf32, #tpu.memory_space<vmem>>)
    %add3A_46 = arith.constant 256 : i32
    %add3A_47 = arith.addi %mul3A_2, %add3A_46 : i32
    %dma_start3A_48 = arith.constant 256 : i32
    %dma_start3A_49 = arith.constant 0 : i32
    %dma_start3A_50 = tpu.memref_slice %arg6[%dma_start3A_48, %dma_start3A_49] : memref<512x32xf32, #tpu.memory_space<vmem>> -> memref<256x32xf32, #tpu.memory_space<vmem>>
    %dma_start3A_51 = arith.constant 0 : i32
    %dma_start3A_52 = tpu.memref_slice %arg4[%add3A_47, %dma_start3A_51] : memref<16384x32xf32, #tpu.memory_space<hbm>> -> memref<256x32xf32, #tpu.memory_space<hbm>>
    %dma_start3A_53 = arith.constant 0 : i32
    %dma_start3A_54 = tpu.memref_slice %arg4[%add3A_47, %dma_start3A_53] : memref<16384x32xf32, #tpu.memory_space<hbm>> -> memref<256x32xf32, #tpu.memory_space<hbm>>
    %dma_start3A_55 = arith.constant 256 : i32
    %dma_start3A_56 = arith.constant 0 : i32
    %dma_start3A_57 = tpu.memref_slice %arg6[%dma_start3A_55, %dma_start3A_56] : memref<512x32xf32, #tpu.memory_space<vmem>> -> memref<256x32xf32, #tpu.memory_space<vmem>>
    tpu.enqueue_dma source(%dma_start3A_57 : memref<256x32xf32, #tpu.memory_space<vmem>>) target(%dma_start3A_54 : memref<256x32xf32, #tpu.memory_space<hbm>>) target_semaphore(%arg9 : memref<!tpu.dma_semaphore, #tpu.memory_space<semaphore_mem>>)
    %dma_wait3A_58 = arith.constant 0 : i32
    %dma_wait3A_59 = tpu.memref_slice %arg4[%mul3A_2, %dma_wait3A_58] : memref<16384x32xf32, #tpu.memory_space<hbm>> -> memref<512x32xf32, #tpu.memory_space<hbm>>
    %dma_wait3A_60 = arith.constant 0 : i32
    %dma_wait3A_61 = tpu.memref_slice %arg4[%mul3A_2, %dma_wait3A_60] : memref<16384x32xf32, #tpu.memory_space<hbm>> -> memref<512x32xf32, #tpu.memory_space<hbm>>
    tpu.wait_dma2 semaphore(%arg9 : memref<!tpu.dma_semaphore, #tpu.memory_space<semaphore_mem>>) src(%arg6 : memref<512x32xf32, #tpu.memory_space<vmem>>) dst(%dma_wait3A_61 : memref<512x32xf32, #tpu.memory_space<hbm>>)
    return
  }
}

</mosaic_0001>

<sc_bundles>
// kernel: kernel.3.cloned.1.call-start
scs
__scs_entry_jumppad:
0x0: {  	(pc) =	sbr.rel $0x88, $3  }
0x1: {  	(tag) =	ssettag $0x0;
	lr =	simm.s32 $0x1  }
0x2: {  	[smem:$0x3F9F] =	sst lr;
	_ =	strace $0xD0000000  }
0x3: {  	_ = 	snop  }
0x4: {  	_ = 	snop  }
0x5: {  	_ = 	snop  }
0x6: {  	_ = 	snop  }
0x7: {  	_ = 	snop  }
__scs_overlays_trampoline_lowered:
0x8: {  	[smem:$0x3FAE] =	sst s0  }
0x9: {  	[smem:$0x3FAF] =	sst s1  }
0xa: {  	[smem:$0x3FB0] =	sst s2  }
0xb: {  	[smem:$0x3FB1] =	sst s3  }
0xc: {  	[smem:$0x3FB2] =	sst s4  }
0xd: {  	[smem:$0x3FB3] =	sst s5  }
0xe: {  	[smem:$0x3FB4] =	sst s6  }
0xf: {  	[smem:$0x3FB5] =	sst s7  }
0x10: {  	[smem:$0x3FB6] =	sst s8  }
0x11: {  	[smem:$0x3FB7] =	sst s9;
	s0 =	simm.s32 @!p0 $0x0  }
0x12: {  	s1 =	sld [smem:$0x3F9D];
	s0 =	simm.s32 @p0 $0x1  }
0x13: {  	[smem:$0x3FB8] =	sst s0;
	s0 =	simm.s32 @!p1 $0x0  }
0x14: {  	s2 =	sld [smem:$0x3F9C];
	s0 =	simm.s32 @p1 $0x1  }
0x15: {  	[smem:$0x3FB9] =	sst s0;
	s0 =	simm.s32 @!p2 $0x0  }
0x16: {  	s3 =	sld [smem:$0x3FDB];
	s0 =	simm.s32 @p2 $0x1  }
0x17: {  	s4 =	simm.s32 $0x1BF5;
	[smem:$0x3FBB] =	sst s0  }
0x18: {  	s0 =	sld [smem:$0x3F9E];
	_ =	swait.ge [sflag:s4], $0x0  }
0x19: {  	s7 =	sld [smem:$0x3F9F]  }
0x1a: {  	s8 =	sadd.s32 $0xFFFFE003, lr  }
0x1b: {  	s9 =	sadd.s32 $0xFFFFFEF7, lr;
	s5 =	simm.s32 $0xFFFFFFFF;
	p2 =	slt.u32 s8, $0xFFFFF086  }
0x1c: {  	p1 =	slt.u32 s9, $0xF7A;
	s5 =	simm.s32 @!p2 $0x0  }
0x1d: {  	s5 =	simm.s32 @p1 $0x1;
	p0 =	seq.s32 s7, s2  }
0x1e: {  	s7 =	smul.u32 @!p0 $0xF7A, s2;
	p2 =	seq.s32 @!p0 s5, $0x0  }
0x1f: {  	s9 =	smul.u32 $0xF7A, s1;
	s8 =	simm.s32 @!p0 $0x1BF5;
	p2 =	por !p2, p0  }
0x20: {  	[sflag:s8] =	ssyncset.s32 @!p0 $0xFFFFF086;
	s6 =	sadd.s32 @!p0 s3, s7;
	s7 =	simm.s32 @!p0 $0x108  }
0x21: {  	s3 =	sadd.s32 s3, s9;
	s6 =	sadd.s32 @!p0 $0x88, s6;
	s7 =	simm.s32 @p2 $0x1082  }
0x22: {  	[simem:s7], [sflag:s8] =	dma.local @!p0 [hbm:s6], $0xF7A  }
0x23: {  	s9 =	sor.u32 $0xD0000000, s2;
	s6 =	simm.s32 $0x108;
	_ =	swait.ge @!p0 [sflag:s8], $0x0  }
0x24: {  	s3 =	sadd.s32 $0x88, s3;
	s6 =	simm.s32 @!p1 $0x1082;
	[sflag:s4] =	ssyncset.s32 $0xFFFFF086  }
0x25: {  	[simem:s6], [sflag:s4] =	dma.local [hbm:s3], $0xF7A  }
0x26: {  	[smem:$0x3F9F] =	sst s1;
	(tag) =	ssettag s2;
	_ =	strace s9  }
0x27: {  	s1 =	sld [smem:$0x3FAF]  }
0x28: {  	s2 =	sld [smem:$0x3FB0]  }
0x29: {  	s4 =	sld [smem:$0x3FB2]  }
0x2a: {  	p0 =	seq.s32 s5, $0x0;
	s5 =	sld [smem:$0x3FB3]  }
0x2b: {  	s6 =	sld [smem:$0x3FB4]  }
0x2c: {  	s7 =	sld [smem:$0x3FB5]  }
0x2d: {  	s3 =	simm.s32 $0x108;
	s8 =	sld [smem:$0x3FB6]  }
0x2e: {  	s3 =	simm.s32 @!p0 $0x1082;
	s9 =	sld [smem:$0x3FB7]  }
0x2f: {  	lr =	sadd.s32 s0, s3;
	s0 =	sld [smem:$0x3FAE]  }
0x30: {  	s3 =	sld [smem:$0x3FB1]  }
0x31: {  	[smem:$0x3FBA] =	sst s10  }
0x32: {  	s10 =	sld [smem:$0x3FB8];
	_ =	sdelay $0x3  }
0x33: {  	p0 =	seq.s32 s10, $0x1;
	s10 =	sld [smem:$0x3FBA];
	_ =	sdelay $0x3  }
0x34: {  	[smem:$0x3FBA] =	sst s10  }
0x35: {  	s10 =	sld [smem:$0x3FB9];
	_ =	sdelay $0x3  }
0x36: {  	p1 =	seq.s32 s10, $0x1;
	s10 =	sld [smem:$0x3FBA];
	_ =	sdelay $0x3  }
0x37: {  	[smem:$0x3FBA] =	sst s10  }
0x38: {  	s10 =	sld [smem:$0x3FBB]  }
0x39: {  	_ = 	snop;
	(pc) =	sbr.ind lr, $3  }
0x3a: {  	_ = 	snop  }
0x3b: {  	_ = 	snop  }
0x3c: {  	p2 =	seq.s32 s10, $0x1;
	s10 =	sld [smem:$0x3FBA]  }
0x3d: {  	_ =	shalt  }
0x3e: {  	_ =	shalt  }
0x3f: {  	_ =	shalt  }
0x40: {  	_ =	shalt  }
0x41: {  	_ =	shalt  }
0x42: {  	_ =	shalt  }
0x43: {  	_ =	shalt  }
0x44: {  	_ =	shalt  }
0x45: {  	_ =	shalt  }
0x46: {  	_ =	shalt  }
0x47: {  	_ =	shalt  }
0x48: {  	_ =	shalt  }
0x49: {  	_ =	shalt  }
0x4a: {  	_ =	shalt  }
0x4b: {  	_ =	shalt  }
0x4c: {  	_ =	shalt  }
0x4d: {  	_ =	shalt  }
0x4e: {  	_ =	shalt  }
0x4f: {  	_ =	shalt  }
0x50: {  	_ =	shalt  }
0x51: {  	_ =	shalt  }
0x52: {  	_ =	shalt  }
0x53: {  	_ =	shalt  }
0x54: {  	_ =	shalt  }
0x55: {  	_ =	shalt  }
0x56: {  	_ =	shalt  }
0x57: {  	_ =	shalt  }
0x58: {  	_ =	shalt  }
0x59: {  	_ =	shalt  }
0x5a: {  	_ =	shalt  }
0x5b: {  	_ =	shalt  }
0x5c: {  	_ =	shalt  }
0x5d: {  	_ =	shalt  }
0x5e: {  	_ =	shalt  }
0x5f: {  	_ =	shalt  }
0x60: {  	_ =	shalt  }
0x61: {  	_ =	shalt  }
0x62: {  	_ =	shalt  }
0x63: {  	_ =	shalt  }
0x64: {  	_ =	shalt  }
0x65: {  	_ =	shalt  }
0x66: {  	_ =	shalt  }
0x67: {  	_ =	shalt  }
0x68: {  	_ =	shalt  }
0x69: {  	_ =	shalt  }
0x6a: {  	_ =	shalt  }
0x6b: {  	_ =	shalt  }
0x6c: {  	_ =	shalt  }
0x6d: {  	_ =	shalt  }
0x6e: {  	_ =	shalt  }
0x6f: {  	_ =	shalt  }
0x70: {  	_ =	shalt  }
0x71: {  	_ =	shalt  }
0x72: {  	_ =	shalt  }
0x73: {  	_ =	shalt  }
0x74: {  	_ =	shalt  }
0x75: {  	_ =	shalt  }
0x76: {  	_ =	shalt  }
0x77: {  	_ =	shalt  }
0x78: {  	_ =	shalt  }
0x79: {  	_ =	shalt  }
0x7a: {  	_ =	shalt  }
0x7b: {  	_ =	shalt  }
0x7c: {  	_ =	shalt  }
0x7d: {  	_ =	shalt  }
0x7e: {  	_ =	shalt  }
0x7f: {  	_ =	shalt  }
0x80: {  	_ =	shalt  }
0x81: {  	_ =	shalt  }
0x82: {  	_ =	shalt  }
0x83: {  	_ =	shalt  }
0x84: {  	_ =	shalt  }
0x85: {  	_ =	shalt  }
0x86: {  	_ =	shalt  }
0x87: {  	_ =	shalt  }
.Lfunc_end0:
.L_simem_size_0:
called_computation_lowered:
.L_overlay_start_0:
0x88: {  	s2 =	sld [smem:$0x3FD9]  }
0x89: {  	s3 =	sld [smem:$0x3FFE];
	_ =	sdelay $0x1  }
0x8a: {  	s1 =	srdreg.scid  }
0x8b: {  	s0 =	sand.u32 $0x1, s1  }
0x8c: {  	s17 =	sshll.u32 s0, $0xA;
	s2 =	sadd.s32 s3, s2  }
0x8d: {  	s2 =	sadd.s32 s2, s17  }
0x8e: {  	[smem:$0x3FC6] =	sst s2  }
0x8f: {  	_ = 	snop  }
0x90: {  	s2 =	sld [smem:$0x3FC9];
	(tm) =	ssettm $0x1  }
0x91: {  	s18 =	sld [smem:$0x3FFB];
	_ =	sdelay $0x3  }
0x92: {  	_ =	strace s18  }
0x93: {  	s3 =	sld [smem:$0x3FFC];
	_ =	sdelay $0x3  }
0x94: {  	_ =	strace s3  }
0x95: {  	s3 =	sld [smem:$0x3FFD];
	_ =	sdelay $0x3  }
0x96: {  	_ =	strace s3  }
0x97: {  	_ =	strace $0x8FFFFFFF  }
0x98: {  	s19 =	sld [smem:$0x3FDB];
	_ =	sdelay $0x1  }
0x99: {  	s4 =	simm.s32 $_scs_section_size  }
0x9a: {  	s5 =	simm.s32 $_size__tile_overlayer_lowered;
	s6 =	simm.s32 $_tile_overlayer_lowered  }
0x9b: {  	s22 =	simm.s32 $0x1BFF;
	s21 =	sshll.u32 s6, $0x1;
	s3 =	sadd.s32 s4, s19  }
0x9c: {  	s7 =	simm.s32 $0x0;
	s20 =	sshll.u32 s5, $0x1;
	s5 =	sadd.s32 s21, s3  }
0x9d: {  	[timem:s7], [sflag:s22] =	dma.local [hbm:s5], s20  }
0x9e: {  	_ =	swait.ge [sflag:s22], s20  }
0x9f: {  	s4 =	ssub.s32 $0x0, s20;
	[sflag:s22] =	ssyncset.done $0x0  }
0xa0: {  	[sflag:s22] =	ssyncadd.s32 s4;
	_ =	sdelay $0x1  }
0xa1: {  	s23 =	simm.s32 $0x1B8B  }
0xa2: {  	_ =	swait.ge [sflag:s23], $0x1  }
0xa3: {  	[sflag:s23] =	ssyncset.done $0x0  }
0xa4: {  	s25 =	simm.s32 $0x1B8E;
	s24 =	sld [smem:$0x3FFE];
	[sflag:s23] =	ssyncadd.s32 $0xFFFFFFFF  }
0xa5: {  	s26 =	simm.s32 $execute0_lowered;
	[smem:$0x3FD2] =	sst s25  }
0xa6: {  	s5 =	sshll.u32 s26, $0x1;
	_ =	strace $0x80000046;
	[dreg:$0x1] =	wrdreg $0xFFFFFFFF  }
0xa7: {  	s28 =	simm.s32 $_size_execute0_lowered;
	s3 =	sadd.s32 s3, s5;
	[dreg:$0x0] =	wrdreg $0x0  }
0xa8: {  	s5 =	sshll.u32 s28, $0x1;
	[dreg:$0x2] =	wrdreg s3  }
0xa9: {  	[dreg:$0x3] =	wrdreg s5  }
0xaa: {  	[dreg:$0x4] =	wrdreg $0xC0  }
0xab: {  	_ =	task [dreg:s7], $0x5FFFF  }
0xac: {  	[dreg:$0x1] =	wrdreg $0xFFFFFFFF  }
0xad: {  	[dreg:$0x0] =	wrdreg $0x60  }
0xae: {  	[dreg:$0x2] =	wrdreg s24  }
0xaf: {  	[dreg:$0x3] =	wrdreg s2  }
0xb0: {  	[dreg:$0x4] =	wrdreg $0x9  }
0xb1: {  	_ =	task.clear_ibuf [dreg:s7], $0x5FFFF;
	_ =	strace $0x90000046  }
0xb2: {  	s29 =	simm.s32 $0x9;
	_ =	strace $0x80000048  }
0xb3: {  	_ =	swait.ge [sflag:s29], $0x1  }
0xb4: {  	[sflag:s29] =	ssyncadd.s32 $0xFFFFFFFF  }
0xb5: {  	_ =	strace $0x90000048  }
0xb6: {  	_ =	sfence  }
0xb7: {  	s30 =	sld [smem:$0x0];
	_ =	sdelay $0x2  }
0xb8: {  	s31 =	sshll.u32 s1, $0xD;
	s1 =	sshrl.u32 s1, $0x2  }
0xb9: {  	s3 =	sand.u32 $0x4000, s31;
	s1 =	sadd.s32 s1, s30  }
0xba: {  	s0 =	sor.u32 s3, s0;
	s1 =	sshll.u32 s1, $0x11  }
0xbb: {  	s0 =	sor.u32 s1, s0  }
0xbc: {  	s0 =	sadd.s32 $0x8F2B, s0  }
0xbd: {  	[sflag:s0] =	ssyncadd.remote.s32 $0x1  }
0xbe: {  	_ =	sfence.sel $0xFFFF  }
0xbf: {  	[dreg:$0x0] =	wrdreg $0xFFFFFFFF;
	(pc) =	sbr.abs _section_cstart, $3  }
0xc0: {  	[dreg:$0x1] =	wrdreg $0xFFFFFFFF  }
0xc1: {  	_ =	task.clear_ibuf [dreg:s7], $0x2FFFF;
	_ =	strace $0x9FFFFFFF  }
0xc2: {  	(tm) =	ssettm $0x7FFFFFFF  }
0xc3: {  	_ =	shalt  }
tec
execute0_lowered:
.L_overlay_start_1:
0x0: {  	(tag) =	ssettag $0x1  }
0x1: {  	s4 =	rddreg [dreg:$0x0]  }
0x2: {  	s5 =	rddreg [dreg:$0x1];
	s3 =	srdreg.scid  }
0x3: {  	s2 =	simm.s32 $0x0;
	s0 =	stileid.u32;
	s6 =	sand.u32 $0x1, s3  }
0x4: {  	s11 =	simm.s32 $0x2;
	s25 =	sshll.u32 s0, $0xA;
	s7 =	sshll.u32 s6, $0x9  }
0x5: {  	[smem:$0x7FF] =	sst s2;
	s6 =	ssub.s32 $0x2, s6;
	s7 =	sor.u32 s7, s25  }
0x6: {  	vm0 =	vmmov $0x1;
	s26 =	sshrl.u32 s6, $0x1;
	s8 =	sshll.u32 s7, $0x4;
	s7 =	sshrl.u32 s7, $0x3  }
0x7: {  	vm1 =	vcmask $0x308;
	vm2 =	vcmask $0x70C;
	vm3 =	vcmask $0xB10;
	_ =	strace $0x80000047;
	s9 =	ssub.s32 s6, s26;
	s28 =	sadd.s32 s5, s7  }
0x8: {  	vm4 =	vcmask $0xF14;
	vm5 =	vcmask $0x1318;
	vm6 =	vcmask $0x171C;
	s8 =	sadd.s32 s8, s4;
	s31 =	smax.u32 s9, $0x1;
	[dreg:$0x3] =	wrdreg s28  }
0x9: {  	vm7 =	vcmask $0x1B20;
	vm8 =	vcmask $0x1F24;
	vm9 =	vcmask $0x2328;
	s13 =	simm.s32 $0x3;
	s29 =	sadd.s32 $0x186E00, s8;
	[dreg:$0x6] =	wrdreg s31  }
0xa: {  	vm10 =	vcmask $0x272C;
	vm11 =	vcmask $0x2B30;
	vm12 =	vcmask $0x2F34;
	s14 =	simm.s32 $0x0;
	s30 =	sadd.s32 $0x187E00, s8;
	[dreg:$0x4] =	wrdreg s29  }
0xb: {  	vm13 =	vcmask $0x3338;
	vm14 =	vcmask $0x373C;
	vm15 =	vmmov $0x7fff;
	s3 =	sadd.s32 $0x400, s4;
	s9 =	simm.s32 $0x1;
	[dreg:$0x5] =	wrdreg s30  }
.LBB2_1:
0xc: {  	s0 =	rddreg [dreg:$0x3];
	s29 =	simm.s32 $0x4  }
0xd: {  	[tilespmem:s2], [sflag:$0x4] =	stream.linear.gather [hbm4b:s0+s2], $0x200, $0x38;
	[tilespmem:$0x10200] =	vst v63  }
0xe: {  	_ =	swait.ge [sflag:s29], $0x200  }
0xf: {  	[sflag:s29] =	ssyncset.done $0x0  }
0x10: {  	[sflag:s29] =	ssyncadd.s32 $0xFFFFFE00  }
0x11: {  	v0 =	vld [tilespmem:s2+$0x0];
	_ =	sdelay $0x4  }
0x12: {  	v1 =	vsel vm10, $0x0, v0  }
0x13: {  	v2 =	vsel vm11, $0x0, v0;
	v1 =	vxor.u32 $0x80000000, v1  }
0x14: {  	v3 =	vsel vm3, $0x0, v0;
	v2 =	vxor.u32 $0x80000000, v2;
	(xrf0) =	vmax.scan.msk.u32 $0xffff, v1  }
0x15: {  	v3 =	vxor.u32 $0x80000000, v3;
	(xrf0) =	vmax.scan.msk.u32 $0xffff, v2  }
0x16: {  	v34 =	vsel vm1, $0x0, v0;
	(xrf0) =	vmax.scan.msk.u32 $0xffff, v3  }
0x17: {  	v1 =	vxor.u32 $0x80000000, v34  }
0x18: {  	(xrf0) =	vmax.scan.msk.u32 $0xffff, v1;
	_ =	sdelay $0x1  }
0x19: {  	v35 =	vnsel vm0, $0x0, v0;
	v36, _, _ =	vpop (xrf0)  }
0x1a: {  	v37 =	vsel vm2, $0x0, v0;
	v2 =	vxor.u32 $0x80000000, v35;
	(v2sf) =	vpush v36, $0xF;
	v38, _, _ =	vpop (xrf0)  }
0x1b: {  	v40 =	vsel vm5, $0x0, v0;
	(xrf0) =	vmax.scan.msk.u32 $0xffff, v2;
	v2 =	vxor.u32 $0x80000000, v37;
	v3, _, _ =	vpop (xrf0);
	(v2sf) =	vpush v38, $0xF  }
0x1c: {  	v42 =	vsel vm4, $0x0, v0;
	(xrf0) =	vmax.scan.msk.u32 $0xffff, v2;
	v2 =	vxor.u32 $0x80000000, v40;
	(v2sf) =	vpush v3, $0xF  }
0x1d: {  	v1 =	vxor.u32 $0x80000000, v42;
	(xrf0) =	vmax.scan.msk.u32 $0xffff, v2;
	v39, _, _ =	vpop (xrf0)  }
0x1e: {  	(xrf0) =	vmax.scan.msk.u32 $0xffff, v1;
	(v2sf) =	vpush v39, $0xF;
	_ =	sdelay $0x2  }
0x1f: {  	v44 =	vsel vm6, $0x0, v0;
	v41, _, _ =	vpop (xrf0)  }
0x20: {  	v47 =	vsel vm7, $0x0, v0;
	v45 =	vxor.u32 $0x80000000, v44;
	(v2sf) =	vpush v41, $0xF;
	v43, _, _ =	vpop (xrf0)  }
0x21: {  	v49 =	vxor.u32 $0x80000000, v47;
	(xrf0) =	vmax.scan.msk.u32 $0xffff, v45;
	v46, _, _ =	vpop (xrf0)  }
0x22: {  	v50 =	vsel vm8, $0x0, v0;
	v48, _, _ =	vpop (xrf0);
	(xrf0) =	vmax.scan.msk.u32 $0xffff, v49  }
0x23: {  	v1 =	vxor.u32 $0x80000000, v50;
	(v2sf) =	vpush v43, $0xF  }
0x24: {  	(xrf0) =	vmax.scan.msk.u32 $0xffff, v1  }
0x25: {  	(v2sf) =	vpush v46, $0xF  }
0x26: {  	(v2sf) =	vpush v48, $0xF  }
0x27: {  	v51, _, _ =	vpop (xrf0);
	s24 =	spop (v2sf)  }
0x28: {  	v54, _, _ =	vpop (xrf0);
	s22 =	spop (v2sf);
	(v2sf) =	vpush v51, $0xF  }
0x29: {  	s19 =	spop (v2sf);
	(v2sf) =	vpush v54, $0xF  }
0x2a: {  	v55, _, _ =	vpop (xrf0)  }
0x2b: {  	v52 =	vsel vm9, $0x0, v0;
	s16 =	spop (v2sf);
	(v2sf) =	vpush v55, $0xF  }
0x2c: {  	s15 =	simm.s32 $0x2000;
	s17 =	simm.s32 $0x0;
	s21 =	simm.s32 $0x300;
	v53 =	vxor.u32 $0x80000000, v52  }
0x2d: {  	s18 =	simm.s32 $0x600;
	s23 =	simm.s32 $0x400;
	s25 =	simm.s32 $0x200;
	(xrf0) =	vmax.scan.msk.u32 $0xffff, v53  }
0x2e: {  	s26 =	simm.s32 $0x280;
	s30 =	simm.s32 $0x480;
	s4 =	simm.s32 $0x380  }
0x2f: {  	s8 =	simm.s32 $0x500;
	v57 =	vsel vm12, $0x0, v0;
	s24 =	sshll.u32 s24, $0x4;
	s20 =	spop (v2sf)  }
0x30: {  	s12 =	simm.s32 $0x580;
	v58 =	vsel vm13, $0x0, v0;
	v1 =	vxor.u32 $0x80000000, v57;
	s24 =	sand.u32 $0x1FFFFFF0, s24;
	s20 =	sshll.u32 s20, $0x4  }
0x31: {  	v2 =	vxor.u32 $0x80000000, v58;
	(xrf0) =	vmax.scan.msk.u32 $0xffff, v1;
	s19 =	sshll.u32 s19, $0x4;
	s16 =	sshll.u32 s16, $0x4;
	s20 =	sand.u32 $0x1FFFFFF0, s20  }
0x32: {  	(xrf0) =	vmax.scan.msk.u32 $0xffff, v2;
	s19 =	sand.u32 $0x1FFFFFF0, s19;
	s20 =	sadd.s32 s3, s20;
	s28 =	spop (v2sf)  }
0x33: {  	v56, _, _ =	vpop (xrf0);
	[tilespmem:s25], [sflag:$0x1] =	stream.linear.gather [hbm4b:s20+s2], $0x80, $0x38;
	[tilespmem:$0x10200] =	vst v63  }
0x34: {  	s31 =	sand.u32 $0x1FFFFFF0, s16;
	(v2sf) =	vpush v56, $0xF;
	s28 =	sshll.u32 s28, $0x4;
	s0 =	spop (v2sf)  }
0x35: {  	v59 =	vsel vm14, $0x0, v0;
	s20 =	sadd.s32 s3, s31;
	s1 =	sand.u32 $0x1FFFFFF0, s28;
	s28 =	spop (v2sf)  }
0x36: {  	v0 =	vsel vm15, $0x0, v0;
	v1 =	vxor.u32 $0x80000000, v59;
	[tilespmem:s26], [sflag:$0x1] =	stream.linear.gather [hbm4b:s20+s2], $0x80, $0x38;
	[tilespmem:$0x10200] =	vst v63  }
0x37: {  	v0 =	vxor.u32 $0x80000000, v0;
	(xrf0) =	vmax.scan.msk.u32 $0xffff, v1;
	s16 =	simm.s32 $0x10;
	v60, _, _ =	vpop (xrf0);
	s5 =	sshll.u32 s28, $0x4;
	s28 =	spop (v2sf)  }
0x38: {  	(xrf0) =	vmax.scan.msk.u32 $0xffff, v0;
	s26 =	sadd.s32 s3, s1;
	s6 =	sshll.u32 s28, $0x4;
	s28 =	spop (v2sf);
	(v2sf) =	vpush v60, $0xF  }
0x39: {  	v61, _, _ =	vpop (xrf0);
	[tilespmem:s21], [sflag:$0x1] =	stream.linear.gather [hbm4b:s26+s2], $0x80, $0x38;
	[tilespmem:$0x10200] =	vst v63  }
0x3a: {  	s19 =	sadd.s32 s3, s19;
	s10 =	sshll.u32 s28, $0x4;
	s28 =	spop (v2sf);
	(v2sf) =	vpush v61, $0xF  }
0x3b: {  	s25 =	sshll.u32 s22, $0x4;
	s29 =	sshll.u32 s0, $0x4;
	s26 =	sand.u32 $0x1FFFFFF0, s5  }
0x3c: {  	[tilespmem:s4], [sflag:$0x1] =	stream.linear.gather [hbm4b:s19+s2], $0x80, $0x38;
	[tilespmem:$0x10200] =	vst v63  }
0x3d: {  	v62, _, _ =	vpop (xrf0);
	s22 =	simm.s32 $0x0;
	s7 =	sand.u32 $0x1FFFFFF0, s29;
	s26 =	sadd.s32 s3, s26  }
0x3e: {  	[tilespmem:s23], [sflag:$0x1] =	stream.linear.gather [hbm4b:s26+s2], $0x80, $0x38;
	(v2sf) =	vpush v62, $0xF;
	[tilespmem:$0x10200] =	vst v63  }
0x3f: {  	s20 =	simm.s32 $0x880;
	v63, _, _ =	vpop (xrf0);
	s26 =	sadd.s32 s3, s7;
	s23 =	sand.u32 $0x1FFFFFF0, s6  }
0x40: {  	[tilespmem:s30], [sflag:$0x1] =	stream.linear.gather [hbm4b:s26+s2], $0x80, $0x38;
	(v2sf) =	vpush v63, $0xF;
	[tilespmem:$0x10200] =	vst v63  }
0x41: {  	s21 =	simm.s32 $0x780;
	s23 =	sadd.s32 s3, s23;
	s26 =	sand.u32 $0x1FFFFFF0, s10  }
0x42: {  	[tilespmem:s8], [sflag:$0x1] =	stream.linear.gather [hbm4b:s23+s2], $0x80, $0x38;
	[tilespmem:$0x10200] =	vst v63  }
0x43: {  	s29 =	sshll.u32 s28, $0x4;
	s26 =	sadd.s32 s3, s26;
	s28 =	spop (v2sf)  }
0x44: {  	[tilespmem:s12], [sflag:$0x1] =	stream.linear.gather [hbm4b:s26+s2], $0x80, $0x38;
	[tilespmem:$0x10200] =	vst v63  }
0x45: {  	s19 =	simm.s32 $0x800;
	s30 =	sand.u32 $0x1FFFFFF0, s29;
	s31 =	sshll.u32 s28, $0x4  }
0x46: {  	s23 =	simm.s32 $0x700;
	s28 =	sadd.s32 s3, s30;
	s26 =	sand.u32 $0x1FFFFFF0, s31  }
.LBB2_2:
0x47: {  	s29 =	sadd.s32 $0x680, s17;
	s25 =	sand.u32 $0x1FFFFFF0, s25;
	s30 =	spop (v2sf)  }
0x48: {  	[tilespmem:s18], [sflag:$0x1] =	stream.linear.gather [hbm4b:s28+s22], $0x80, $0x38;
	[tilespmem:$0x10200] =	vst v63  }
0x49: {  	s18 =	sadd.s32 s3, s26;
	s26 =	sshll.u32 s30, $0x4;
	s28 =	spop (v2sf)  }
0x4a: {  	[tilespmem:s29], [sflag:$0x1] =	stream.linear.gather [hbm4b:s18+s22], $0x80, $0x38;
	[tilespmem:$0x10200] =	vst v63  }
0x4b: {  	s18 =	sadd.s32 s3, s24;
	s24 =	sand.u32 $0x1FFFFFF0, s26;
	s26 =	sshll.u32 s28, $0x4  }
0x4c: {  	[tilespmem:s23], [sflag:$0x1] =	stream.linear.gather [hbm4b:s18+s22], $0x80, $0x38;
	[tilespmem:$0x10200] =	vst v63  }
0x4d: {  	s18 =	sadd.s32 s3, s25;
	s23 =	sand.u32 $0x1FFFFFF0, s26;
	s25 =	spop (v2sf)  }
0x4e: {  	[tilespmem:s21], [sflag:$0x1] =	stream.linear.gather [hbm4b:s18+s22], $0x80, $0x38;
	[tilespmem:$0x10200] =	vst v63  }
0x4f: {  	s18 =	sadd.s32 s3, s24;
	s21 =	sshll.u32 s25, $0x4;
	s24 =	spop (v2sf)  }
0x50: {  	[tilespmem:s19], [sflag:$0x1] =	stream.linear.gather [hbm4b:s18+s22], $0x80, $0x38;
	[tilespmem:$0x10200] =	vst v63  }
0x51: {  	s18 =	sadd.s32 s3, s23;
	s19 =	sand.u32 $0x1FFFFFF0, s21;
	s21 =	sshll.u32 s24, $0x4  }
0x52: {  	[tilespmem:s20], [sflag:$0x1] =	stream.linear.gather [hbm4b:s18+s22], $0x80, $0x38;
	[tilespmem:$0x10200] =	vst v63  }
0x53: {  	s19 =	sadd.s32 s3, s19;
	s18 =	sadd.s32 $0x900, s17;
	s20 =	sand.u32 $0x1FFFFFF0, s21  }
0x54: {  	[tilespmem:s18], [sflag:$0x1] =	stream.linear.gather [hbm4b:s19+s22], $0x80, $0x38;
	[tilespmem:$0x10200] =	vst v63  }
0x55: {  	p0 =	sne.s32 s15, $0x1E000;
	s17 =	sadd.s32 $0x980, s17;
	s18 =	sadd.s32 s3, s20  }
0x56: {  	[tilespmem:s17], [sflag:$0x1] =	stream.linear.gather [hbm4b:s18+s22], $0x80, $0x38;
	[tilespmem:$0x10200] =	vst v63  }
0x57: {  	s17 =	smov.u32 s15;
	s15 =	sadd.s32 $0x2000, s15;
	v0 =	vld [tilespmem:s16+$0x0];
	_ =	sdelay $0x4  }
0x58: {  	v1 =	vsel vm4, $0x0, v0;
	v2 =	vsel vm10, $0x0, v0;
	v3 =	vsel vm11, $0x0, v0  }
0x59: {  	v4 =	vsel vm1, $0x0, v0;
	v5 =	vsel vm14, $0x0, v0;
	v6 =	vsel vm15, $0x0, v0  }
0x5a: {  	v7 =	vsel vm5, $0x0, v0;
	v2 =	vxor.u32 $0x80000000, v2;
	v6 =	vxor.u32 $0x80000000, v6  }
0x5b: {  	v8 =	vnsel vm0, $0x0, v0;
	v9 =	vsel vm3, $0x0, v0;
	v3 =	vxor.u32 $0x80000000, v3;
	(xrf0) =	vmax.scan.msk.u32 $0xffff, v2  }
0x5c: {  	v1 =	vxor.u32 $0x80000000, v1;
	v2 =	vxor.u32 $0x80000000, v9;
	v9 =	vsel vm6, $0x0, v0;
	(xrf0) =	vmax.scan.msk.u32 $0xffff, v3  }
0x5d: {  	v3 =	vxor.u32 $0x80000000, v4;
	v4 =	vxor.u32 $0x80000000, v9;
	v9 =	vsel vm7, $0x0, v0;
	(xrf0) =	vmax.scan.msk.u32 $0xffff, v2  }
0x5e: {  	v2 =	vxor.u32 $0x80000000, v8;
	v8 =	vsel vm2, $0x0, v0;
	v9 =	vxor.u32 $0x80000000, v9;
	(xrf0) =	vmax.scan.msk.u32 $0xffff, v3  }
0x5f: {  	v11 =	vxor.u32 $0x80000000, v7;
	v3 =	vxor.u32 $0x80000000, v8;
	v8 =	vsel vm8, $0x0, v0;
	(xrf0) =	vmax.scan.msk.u32 $0xffff, v2  }
0x60: {  	v10 =	vsel vm12, $0x0, v0;
	v2 =	vxor.u32 $0x80000000, v8;
	v8 =	vsel vm9, $0x0, v0;
	(xrf0) =	vmax.scan.msk.u32 $0xffff, v3  }
0x61: {  	v0 =	vsel vm13, $0x0, v0;
	v3 =	vxor.u32 $0x80000000, v8;
	v8 =	vxor.u32 $0x80000000, v10;
	(xrf0) =	vmax.scan.msk.u32 $0xffff, v11;
	v7, _, _ =	vpop (xrf0)  }
0x62: {  	v5 =	vxor.u32 $0x80000000, v5;
	v0 =	vxor.u32 $0x80000000, v0;
	(xrf0) =	vmax.scan.msk.u32 $0xffff, v1;
	(v2sf) =	vpush v7, $0xF;
	v1, _, _ =	vpop (xrf0)  }
0x63: {  	v7, _, _ =	vpop (xrf0);
	(xrf0) =	vmax.scan.msk.u32 $0xffff, v4;
	(v2sf) =	vpush v1, $0xF  }
0x64: {  	v1, _, _ =	vpop (xrf0);
	(v2sf) =	vpush v7, $0xF;
	(xrf0) =	vmax.scan.msk.u32 $0xffff, v9  }
0x65: {  	v4, _, _ =	vpop (xrf0);
	(v2sf) =	vpush v1, $0xF;
	(xrf0) =	vmax.scan.msk.u32 $0xffff, v2  }
0x66: {  	(v2sf) =	vpush v4, $0xF;
	v1, _, _ =	vpop (xrf0);
	(xrf0) =	vmax.scan.msk.u32 $0xffff, v3  }
0x67: {  	(v2sf) =	vpush v1, $0xF;
	v1, _, _ =	vpop (xrf0);
	(xrf0) =	vmax.scan.msk.u32 $0xffff, v8  }
0x68: {  	s17 =	sshra.s32 s17, $0x2;
	v2, _, _ =	vpop (xrf0);
	(v2sf) =	vpush v1, $0xF;
	(xrf0) =	vmax.scan.msk.u32 $0xffff, v0  }
0x69: {  	s30 =	sadd.s32 $0x300, s17;
	s18 =	sadd.s32 $0x600, s17;
	(v2sf) =	vpush v2, $0xF;
	v0, _, _ =	vpop (xrf0);
	(xrf0) =	vmax.scan.msk.u32 $0xffff, v5  }
0x6a: {  	s26 =	sadd.s32 $0x400, s17;
	v1, _, _ =	vpop (xrf0);
	(xrf0) =	vmax.scan.msk.u32 $0xffff, v6  }
0x6b: {  	s0 =	sadd.s32 $0x200, s17;
	s1 =	sadd.s32 $0x280, s17;
	(v2sf) =	vpush v0, $0xF;
	v0, _, _ =	vpop (xrf0)  }
0x6c: {  	v2, _, _ =	vpop (xrf0)  }
0x6d: {  	s28 =	sadd.s32 $0x480, s17;
	v3, _, _ =	vpop (xrf0)  }
0x6e: {  	v4, _, _ =	vpop (xrf0)  }
0x6f: {  	s22 =	simm.s32 $0x0;
	s16 =	sadd.s32 $0x10, s16;
	(v2sf) =	vpush v1, $0xF;
	v1, _, _ =	vpop (xrf0)  }
0x70: {  	s21 =	sadd.s32 $0x780, s17;
	s19 =	sadd.s32 $0x800, s17;
	s20 =	sadd.s32 $0x880, s17;
	v5, _, _ =	vpop (xrf0)  }
0x71: {  	s29 =	sadd.s32 $0x580, s17;
	s23 =	sadd.s32 $0x700, s17;
	s24 =	spop (v2sf)  }
0x72: {  	s31 =	sadd.s32 $0x500, s17;
	s24 =	sshll.u32 s24, $0x4;
	s25 =	spop (v2sf)  }
0x73: {  	s24 =	sand.u32 $0x1FFFFFF0, s24;
	s25 =	sshll.u32 s25, $0x4;
	s10 =	spop (v2sf);
	(v2sf) =	vpush v0, $0xF  }
0x74: {  	s12 =	sadd.s32 $0x380, s17;
	s10 =	sshll.u32 s10, $0x4;
	s4 =	spop (v2sf);
	(v2sf) =	vpush v2, $0xF  }
0x75: {  	s4 =	sshll.u32 s4, $0x4;
	s10 =	sand.u32 $0x1FFFFFF0, s10;
	s5 =	spop (v2sf)  }
0x76: {  	s5 =	sshll.u32 s5, $0x4;
	s4 =	sand.u32 $0x1FFFFFF0, s4;
	s6 =	spop (v2sf)  }
0x77: {  	s5 =	sand.u32 $0x1FFFFFF0, s5;
	s6 =	sshll.u32 s6, $0x4;
	s7 =	spop (v2sf)  }
0x78: {  	s5 =	sadd.s32 s3, s5;
	s6 =	sand.u32 $0x1FFFFFF0, s6;
	s8 =	spop (v2sf)  }
0x79: {  	[tilespmem:s0], [sflag:$0x1] =	stream.linear.gather [hbm4b:s5+s22], $0x80, $0x38;
	[tilespmem:$0x10200] =	vst v63  }
0x7a: {  	s0 =	sadd.s32 s3, s4;
	s4 =	sshll.u32 s8, $0x4;
	s5 =	spop (v2sf);
	(v2sf) =	vpush v3, $0xF  }
0x7b: {  	[tilespmem:s1], [sflag:$0x1] =	stream.linear.gather [hbm4b:s0+s22], $0x80, $0x38;
	[tilespmem:$0x10200] =	vst v63  }
0x7c: {  	s0 =	sadd.s32 s3, s6;
	s1 =	sand.u32 $0x1FFFFFF0, s4;
	s4 =	sshll.u32 s5, $0x4;
	(v2sf) =	vpush v4, $0xF  }
0x7d: {  	[tilespmem:s30], [sflag:$0x1] =	stream.linear.gather [hbm4b:s0+s22], $0x80, $0x38;
	[tilespmem:$0x10200] =	vst v63  }
0x7e: {  	s4 =	sand.u32 $0x1FFFFFF0, s4;
	s0 =	sadd.s32 s3, s10;
	s5 =	spop (v2sf)  }
0x7f: {  	[tilespmem:s12], [sflag:$0x1] =	stream.linear.gather [hbm4b:s0+s22], $0x80, $0x38;
	[tilespmem:$0x10200] =	vst v63  }
0x80: {  	s0 =	sadd.s32 s3, s1;
	s1 =	sshll.u32 s7, $0x4;
	s5 =	sshll.u32 s5, $0x4;
	(v2sf) =	vpush v1, $0xF  }
0x81: {  	[tilespmem:s26], [sflag:$0x1] =	stream.linear.gather [hbm4b:s0+s22], $0x80, $0x38;
	[tilespmem:$0x10200] =	vst v63  }
0x82: {  	s0 =	sand.u32 $0x1FFFFFF0, s1;
	s1 =	sand.u32 $0x1FFFFFF0, s5;
	s5 =	spop (v2sf);
	(v2sf) =	vpush v5, $0xF  }
0x83: {  	s0 =	sadd.s32 s3, s0;
	s5 =	sshll.u32 s5, $0x4;
	s6 =	spop (v2sf)  }
0x84: {  	[tilespmem:s28], [sflag:$0x1] =	stream.linear.gather [hbm4b:s0+s22], $0x80, $0x38;
	[tilespmem:$0x10200] =	vst v63  }
.Ltmp0:
0x85: {  	_ = 	snop;
	(pc) =	sbr.rel @p0 .LBB2_2-.Ltmp0, $4  }
0x86: {  	s0 =	sadd.s32 s3, s4;
	s4 =	sand.u32 $0x1FFFFFF0, s5;
	s5 =	sshll.u32 s6, $0x4  }
0x87: {  	[tilespmem:s31], [sflag:$0x1] =	stream.linear.gather [hbm4b:s0+s22], $0x80, $0x38;
	[tilespmem:$0x10200] =	vst v63  }
0x88: {  	s28 =	sadd.s32 s3, s4;
	s26 =	sand.u32 $0x1FFFFFF0, s5;
	s0 =	sadd.s32 s3, s1  }
0x89: {  	[tilespmem:s29], [sflag:$0x1] =	stream.linear.gather [hbm4b:s0+s22], $0x80, $0x38;
	[tilespmem:$0x10200] =	vst v63  }
0x8a: {  	s0 =	sadd.s32 $0x680, s17  }
0x8b: {  	[tilespmem:s18], [sflag:$0x1] =	stream.linear.gather [hbm4b:s28+s22], $0x80, $0x38;
	[tilespmem:$0x10200] =	vst v63  }
0x8c: {  	s1 =	sand.u32 $0x1FFFFFF0, s25;
	s4 =	spop (v2sf);
	s5 =	sadd.s32 s3, s26  }
0x8d: {  	s30 =	sadd.s32 s3, s24;
	s24 =	simm.s32 $0x0;
	s6 =	spop (v2sf)  }
0x8e: {  	[tilespmem:s0], [sflag:$0x1] =	stream.linear.gather [hbm4b:s5+s22], $0x80, $0x38;
	[tilespmem:$0x10200] =	vst v63  }
0x8f: {  	s4 =	sshll.u32 s4, $0x4;
	s1 =	sadd.s32 s3, s1;
	s31 =	sshll.u32 s6, $0x4  }
0x90: {  	[tilespmem:s23], [sflag:$0x1] =	stream.linear.gather [hbm4b:s30+s22], $0x80, $0x38;
	[tilespmem:$0x10200] =	vst v63  }
0x91: {  	s4 =	sand.u32 $0x1FFFFFF0, s4;
	s6 =	sand.u32 $0x1FFFFFF0, s31;
	s7 =	spop (v2sf)  }
0x92: {  	[tilespmem:s21], [sflag:$0x1] =	stream.linear.gather [hbm4b:s1+s22], $0x80, $0x38;
	[tilespmem:$0x10200] =	vst v63  }
0x93: {  	s8 =	sadd.s32 s3, s4;
	s15 =	sadd.s32 s3, s6;
	s10 =	sshll.u32 s7, $0x4  }
0x94: {  	[tilespmem:s19], [sflag:$0x1] =	stream.linear.gather [hbm4b:s8+s22], $0x80, $0x38;
	[tilespmem:$0x10200] =	vst v63  }
0x95: {  	s23 =	simm.s32 $0x100;
	s12 =	spop (v2sf);
	s16 =	sand.u32 $0x1FFFFFF0, s10  }
0x96: {  	[tilespmem:s20], [sflag:$0x1] =	stream.linear.gather [hbm4b:s15+s22], $0x80, $0x38;
	[tilespmem:$0x10200] =	vst v63  }
0x97: {  	s18 =	sshll.u32 s12, $0x4;
	s19 =	sadd.s32 $0x900, s17;
	s1 =	sadd.s32 s3, s16  }
0x98: {  	[tilespmem:s19], [sflag:$0x1] =	stream.linear.gather [hbm4b:s1+s22], $0x80, $0x38;
	[tilespmem:$0x10200] =	vst v63  }
0x99: {  	s0 =	sand.u32 $0x180, s23;
	s4 =	sand.u32 $0x1FFFFFF0, s18;
	s1 =	sand.u32 $0x70, s24  }
0x9a: {  	s20 =	sadd.s32 $0x980, s17;
	s21 =	sadd.s32 s3, s4;
	s0 =	sor.u32 s1, s0  }
0x9b: {  	[tilespmem:s20], [sflag:$0x1] =	stream.linear.gather [hbm4b:s21+s22], $0x80, $0x38;
	[tilespmem:$0x10200] =	vst v63  }
0x9c: {  	v0 =	vld [tilespmem:s0+$0x0];
	_ =	sdelay $0x4  }
0x9d: {  	v1 =	vnsel vm0, $0x0, v0  }
0x9e: {  	v1 =	vxor.u32 $0x80000000, v1  }
0x9f: {  	v2 =	vsel vm1, $0x0, v0;
	(xrf0) =	vmax.scan.msk.u32 $0xffff, v1  }
0xa0: {  	v31 =	vsel vm2, $0x0, v0;
	v2 =	vxor.u32 $0x80000000, v2  }
0xa1: {  	v32 =	vsel vm3, $0x0, v0;
	v1 =	vxor.u32 $0x80000000, v31;
	(xrf0) =	vmax.scan.msk.u32 $0xffff, v2  }
0xa2: {  	v33 =	vxor.u32 $0x80000000, v32;
	(xrf0) =	vmax.scan.msk.u32 $0xffff, v1  }
0xa3: {  	(xrf0) =	vmax.scan.msk.u32 $0xffff, v33;
	_ =	sdelay $0x1  }
0xa4: {  	v34 =	vsel vm4, $0x0, v0;
	v35, _, _ =	vpop (xrf0)  }
0xa5: {  	v3 =	vsel vm5, $0x0, v0;
	v1 =	vxor.u32 $0x80000000, v34;
	(v2sf) =	vpush v35, $0xF  }
0xa6: {  	v3 =	vxor.u32 $0x80000000, v3;
	v36, _, _ =	vpop (xrf0);
	(xrf0) =	vmax.scan.msk.u32 $0xffff, v1  }
0xa7: {  	v37 =	vsel vm6, $0x0, v0;
	(v2sf) =	vpush v36, $0xF;
	(xrf0) =	vmax.scan.msk.u32 $0xffff, v3;
	v38, _, _ =	vpop (xrf0)  }
0xa8: {  	v1 =	vxor.u32 $0x80000000, v37;
	(v2sf) =	vpush v38, $0xF;
	v39, _, _ =	vpop (xrf0)  }
0xa9: {  	(xrf0) =	vmax.scan.msk.u32 $0xffff, v1;
	(v2sf) =	vpush v39, $0xF;
	_ =	sdelay $0x1  }
0xaa: {  	v41 =	vsel vm7, $0x0, v0  }
0xab: {  	v42 =	vxor.u32 $0x80000000, v41;
	v40, _, _ =	vpop (xrf0)  }
0xac: {  	v3, _, _ =	vpop (xrf0);
	(v2sf) =	vpush v40, $0xF;
	(xrf0) =	vmax.scan.msk.u32 $0xffff, v42  }
0xad: {  	(v2sf) =	vpush v3, $0xF  }
0xae: {  	v43, _, _ =	vpop (xrf0)  }
0xaf: {  	v44 =	vsel vm8, $0x0, v0;
	(v2sf) =	vpush v43, $0xF  }
0xb0: {  	v45 =	vxor.u32 $0x80000000, v44  }
0xb1: {  	s25 =	simm.s32 $0x8300;
	s26 =	simm.s32 $0x8200;
	v46 =	vsel vm9, $0x0, v0;
	(xrf0) =	vmax.scan.msk.u32 $0xffff, v45  }
0xb2: {  	s28 =	simm.s32 $0x8280;
	s10 =	simm.s32 $0x8380;
	s16 =	simm.s32 $0x0;
	v48 =	vsel vm10, $0x0, v0;
	v1 =	vxor.u32 $0x80000000, v46;
	v47, _, _ =	vpop (xrf0)  }
0xb3: {  	s18 =	simm.s32 $0x8700;
	s15 =	simm.s32 $0x2000;
	v51 =	vsel vm11, $0x0, v0;
	v49 =	vxor.u32 $0x80000000, v48;
	(xrf0) =	vmax.scan.msk.u32 $0xffff, v1;
	s29 =	spop (v2sf);
	(v2sf) =	vpush v47, $0xF  }
0xb4: {  	s17 =	simm.s32 $0x8480;
	s19 =	simm.s32 $0x8400;
	v52 =	vsel vm12, $0x0, v0;
	v53 =	vxor.u32 $0x80000000, v51;
	(xrf0) =	vmax.scan.msk.u32 $0xffff, v49;
	s5 =	sshll.u32 s29, $0x4  }
0xb5: {  	s20 =	simm.s32 $0x8500;
	v54 =	vsel vm13, $0x0, v0;
	v1 =	vxor.u32 $0x80000000, v52;
	(xrf0) =	vmax.scan.msk.u32 $0xffff, v53;
	s30 =	spop (v2sf);
	s5 =	sand.u32 $0x1FFFFFF0, s5  }
0xb6: {  	v55 =	vxor.u32 $0x80000000, v54;
	(xrf0) =	vmax.scan.msk.u32 $0xffff, v1;
	s6 =	sshll.u32 s30, $0x4;
	s7 =	spop (v2sf);
	s5 =	sadd.s32 s3, s5  }
0xb7: {  	(xrf0) =	vmax.scan.msk.u32 $0xffff, v55;
	v50, _, _ =	vpop (xrf0);
	s6 =	sand.u32 $0x1FFFFFF0, s6;
	s31 =	spop (v2sf);
	s8 =	sshll.u32 s7, $0x4  }
0xb8: {  	(v2sf) =	vpush v50, $0xF;
	[tilespmem:s26], [sflag:$0x2] =	stream.linear.gather [hbm4b:s5+s2], $0x80, $0x38;
	[tilespmem:$0x10200] =	vst v63  }
0xb9: {  	v56 =	vsel vm14, $0x0, v0;
	v57, _, _ =	vpop (xrf0);
	s6 =	sadd.s32 s3, s6;
	s1 =	sshll.u32 s31, $0x4;
	s12 =	sand.u32 $0x1FFFFFF0, s8  }
0xba: {  	v0 =	vsel vm15, $0x0, v0;
	v1 =	vxor.u32 $0x80000000, v56;
	v58, _, _ =	vpop (xrf0);
	(v2sf) =	vpush v57, $0xF;
	[tilespmem:s28], [sflag:$0x2] =	stream.linear.gather [hbm4b:s6+s2], $0x80, $0x38;
	[tilespmem:$0x10200] =	vst v63  }
0xbb: {  	v0 =	vxor.u32 $0x80000000, v0;
	(xrf0) =	vmax.scan.msk.u32 $0xffff, v1;
	v59, _, _ =	vpop (xrf0);
	(v2sf) =	vpush v58, $0xF;
	s1 =	sand.u32 $0x1FFFFFF0, s1;
	s5 =	sadd.s32 s3, s12;
	s21 =	spop (v2sf)  }
0xbc: {  	(xrf0) =	vmax.scan.msk.u32 $0xffff, v0;
	v60, _, _ =	vpop (xrf0);
	s1 =	sadd.s32 s3, s1;
	(v2sf) =	vpush v59, $0xF;
	s6 =	sshll.u32 s21, $0x4;
	s22 =	spop (v2sf)  }
0xbd: {  	v61, _, _ =	vpop (xrf0);
	[tilespmem:s25], [sflag:$0x2] =	stream.linear.gather [hbm4b:s5+s2], $0x80, $0x38;
	(v2sf) =	vpush v60, $0xF;
	[tilespmem:$0x10200] =	vst v63  }
0xbe: {  	s23 =	sand.u32 $0x1FFFFFF0, s6;
	s24 =	sshll.u32 s22, $0x4;
	s25 =	spop (v2sf);
	(v2sf) =	vpush v61, $0xF  }
0xbf: {  	[tilespmem:s10], [sflag:$0x2] =	stream.linear.gather [hbm4b:s1+s2], $0x80, $0x38;
	[tilespmem:$0x10200] =	vst v63  }
0xc0: {  	s26 =	sand.u32 $0x1FFFFFF0, s24;
	s0 =	sadd.s32 s3, s23;
	s28 =	sshll.u32 s25, $0x4  }
0xc1: {  	v62, _, _ =	vpop (xrf0);
	[tilespmem:s19], [sflag:$0x2] =	stream.linear.gather [hbm4b:s0+s2], $0x80, $0x38;
	[tilespmem:$0x10200] =	vst v63  }
0xc2: {  	s29 =	sadd.s32 s3, s26;
	s30 =	sand.u32 $0x1FFFFFF0, s28;
	s31 =	spop (v2sf);
	(v2sf) =	vpush v62, $0xF  }
0xc3: {  	v63, _, _ =	vpop (xrf0);
	[tilespmem:s17], [sflag:$0x2] =	stream.linear.gather [hbm4b:s29+s2], $0x80, $0x38;
	[tilespmem:$0x10200] =	vst v63  }
0xc4: {  	s22 =	simm.s32 $0x8600;
	s24 =	simm.s32 $0x8580;
	s1 =	sadd.s32 s3, s30;
	(v2sf) =	vpush v63, $0xF  }
0xc5: {  	[tilespmem:s20], [sflag:$0x2] =	stream.linear.gather [hbm4b:s1+s2], $0x80, $0x38;
	[tilespmem:$0x10200] =	vst v63  }
0xc6: {  	s19 =	simm.s32 $0x8780;
	s17 =	simm.s32 $0x110;
	s0 =	sshll.u32 s31, $0x4  }
0xc7: {  	s20 =	simm.s32 $0x8680;
	s23 =	sand.u32 $0x1FFFFFF0, s0;
	s25 =	spop (v2sf)  }
.LBB2_4:
0xc8: {  	s0 =	sadd.s32 s3, s23  }
0xc9: {  	s1 =	sshll.u32 s25, $0x4;
	s4 =	spop (v2sf);
	s21 =	smov.u32 s15  }
0xca: {  	s1 =	sand.u32 $0x1FFFFFF0, s1;
	s4 =	sshll.u32 s4, $0x4;
	s5 =	spop (v2sf)  }
0xcb: {  	s4 =	sand.u32 $0x1FFFFFF0, s4;
	s5 =	sshll.u32 s5, $0x4;
	s6 =	spop (v2sf)  }
0xcc: {  	s5 =	sand.u32 $0x1FFFFFF0, s5;
	s6 =	sshll.u32 s6, $0x4;
	s7 =	spop (v2sf)  }
0xcd: {  	s6 =	sand.u32 $0x1FFFFFF0, s6;
	s7 =	sshll.u32 s7, $0x4;
	s8 =	spop (v2sf)  }
0xce: {  	[tilespmem:s24], [sflag:$0x2] =	stream.linear.gather [hbm4b:s0+s2], $0x80, $0x38;
	[tilespmem:$0x10200] =	vst v63  }
0xcf: {  	s0 =	sadd.s32 s3, s1;
	s1 =	sand.u32 $0x1FFFFFF0, s7;
	s7 =	sshll.u32 s8, $0x4  }
0xd0: {  	[tilespmem:s22], [sflag:$0x2] =	stream.linear.gather [hbm4b:s0+s2], $0x80, $0x38;
	[tilespmem:$0x10200] =	vst v63  }
0xd1: {  	s0 =	sadd.s32 s3, s4;
	s4 =	sand.u32 $0x1FFFFFF0, s7;
	s7 =	spop (v2sf)  }
0xd2: {  	[tilespmem:s20], [sflag:$0x2] =	stream.linear.gather [hbm4b:s0+s2], $0x80, $0x38;
	[tilespmem:$0x10200] =	vst v63  }
0xd3: {  	s0 =	sadd.s32 s3, s5;
	s5 =	sshll.u32 s7, $0x4;
	s7 =	spop (v2sf)  }
0xd4: {  	[tilespmem:s18], [sflag:$0x2] =	stream.linear.gather [hbm4b:s0+s2], $0x80, $0x38;
	[tilespmem:$0x10200] =	vst v63  }
0xd5: {  	s5 =	sand.u32 $0x1FFFFFF0, s5;
	s0 =	sadd.s32 s3, s6;
	s6 =	sshll.u32 s7, $0x4  }
0xd6: {  	[tilespmem:s19], [sflag:$0x2] =	stream.linear.gather [hbm4b:s0+s2], $0x80, $0x38;
	[tilespmem:$0x10200] =	vst v63  }
0xd7: {  	s1 =	sadd.s32 s3, s1;
	s6 =	sand.u32 $0x1FFFFFF0, s6;
	s0 =	sadd.s32 $0x8800, s16  }
0xd8: {  	[tilespmem:s0], [sflag:$0x2] =	stream.linear.gather [hbm4b:s1+s2], $0x80, $0x38;
	[tilespmem:$0x10200] =	vst v63  }
0xd9: {  	s0 =	sadd.s32 $0x8880, s16;
	s1 =	sadd.s32 s3, s4;
	s4 =	sadd.s32 $0x8980, s16  }
0xda: {  	[tilespmem:s0], [sflag:$0x2] =	stream.linear.gather [hbm4b:s1+s2], $0x80, $0x38;
	[tilespmem:$0x10200] =	vst v63  }
0xdb: {  	s5 =	sadd.s32 s3, s5;
	s0 =	sadd.s32 $0xFFFFFF00, s17;
	s1 =	sadd.s32 $0x8900, s16  }
0xdc: {  	[tilespmem:s1], [sflag:$0x2] =	stream.linear.gather [hbm4b:s5+s2], $0x80, $0x38;
	[tilespmem:$0x10200] =	vst v63  }
0xdd: {  	s0 =	sand.u32 $0x70, s0;
	s1 =	sand.u32 $0x180, s17;
	s5 =	sadd.s32 s3, s6  }
0xde: {  	[tilespmem:s4], [sflag:$0x2] =	stream.linear.gather [hbm4b:s5+s2], $0x80, $0x38;
	[tilespmem:$0x10200] =	vst v63  }
0xdf: {  	p0 =	sne.s32 s15, $0x1E000;
	s15 =	sadd.s32 $0x2000, s15;
	s0 =	sor.u32 s0, s1  }
0xe0: {  	v0 =	vld [tilespmem:s0+$0x0];
	_ =	sdelay $0x4  }
0xe1: {  	v1 =	vnsel vm0, $0x0, v0;
	v2 =	vsel vm2, $0x0, v0;
	v3 =	vsel vm3, $0x0, v0  }
0xe2: {  	v4 =	vsel vm1, $0x0, v0;
	v1 =	vxor.u32 $0x80000000, v1;
	v2 =	vxor.u32 $0x80000000, v2  }
0xe3: {  	v5 =	vsel vm4, $0x0, v0;
	v4 =	vxor.u32 $0x80000000, v4;
	v3 =	vxor.u32 $0x80000000, v3;
	(xrf0) =	vmax.scan.msk.u32 $0xffff, v1  }
0xe4: {  	v6 =	vsel vm6, $0x0, v0;
	v1 =	vxor.u32 $0x80000000, v5;
	v5 =	vsel vm5, $0x0, v0;
	(xrf0) =	vmax.scan.msk.u32 $0xffff, v4  }
0xe5: {  	v4 =	vxor.u32 $0x80000000, v5;
	v5 =	vxor.u32 $0x80000000, v6;
	v6 =	vsel vm7, $0x0, v0;
	(xrf0) =	vmax.scan.msk.u32 $0xffff, v2  }
0xe6: {  	v7 =	vsel vm9, $0x0, v0;
	v2 =	vxor.u32 $0x80000000, v6;
	v6 =	vsel vm8, $0x0, v0;
	(xrf0) =	vmax.scan.msk.u32 $0xffff, v3  }
0xe7: {  	v3 =	vxor.u32 $0x80000000, v6;
	v6 =	vxor.u32 $0x80000000, v7;
	v7 =	vsel vm10, $0x0, v0;
	(xrf0) =	vmax.scan.msk.u32 $0xffff, v1  }
0xe8: {  	v8 =	vsel vm12, $0x0, v0;
	v1 =	vxor.u32 $0x80000000, v7;
	v7 =	vsel vm11, $0x0, v0;
	(xrf0) =	vmax.scan.msk.u32 $0xffff, v4  }
0xe9: {  	v11 =	vsel vm13, $0x0, v0;
	v4 =	vxor.u32 $0x80000000, v7;
	v7 =	vxor.u32 $0x80000000, v8;
	v9, _, _ =	vpop (xrf0);
	(xrf0) =	vmax.scan.msk.u32 $0xffff, v5  }
0xea: {  	v10 =	vsel vm14, $0x0, v0;
	v5 =	vxor.u32 $0x80000000, v11;
	(v2sf) =	vpush v9, $0xF;
	v9, _, _ =	vpop (xrf0);
	(xrf0) =	vmax.scan.msk.u32 $0xffff, v2  }
0xeb: {  	s16 =	sshra.s32 s21, $0x2;
	v0 =	vsel vm15, $0x0, v0;
	v2 =	vxor.u32 $0x80000000, v10;
	(v2sf) =	vpush v9, $0xF;
	v8, _, _ =	vpop (xrf0);
	(xrf0) =	vmax.scan.msk.u32 $0xffff, v3  }
0xec: {  	s24 =	sadd.s32 $0x8300, s16;
	s21 =	sadd.s32 $0x8500, s16;
	v0 =	vxor.u32 $0x80000000, v0;
	(v2sf) =	vpush v8, $0xF;
	v3, _, _ =	vpop (xrf0);
	(xrf0) =	vmax.scan.msk.u32 $0xffff, v6  }
0xed: {  	s23 =	sadd.s32 $0x8400, s16;
	(v2sf) =	vpush v3, $0xF;
	v3, _, _ =	vpop (xrf0);
	(xrf0) =	vmax.scan.msk.u32 $0xffff, v1  }
0xee: {  	s1 =	sadd.s32 $0x8280, s16;
	s0 =	sadd.s32 $0x8200, s16;
	v1, _, _ =	vpop (xrf0);
	(xrf0) =	vmax.scan.msk.u32 $0xffff, v4  }
0xef: {  	v4, _, _ =	vpop (xrf0);
	(xrf0) =	vmax.scan.msk.u32 $0xffff, v7  }
0xf0: {  	s25 =	sadd.s32 $0x8480, s16;
	v6, _, _ =	vpop (xrf0);
	(xrf0) =	vmax.scan.msk.u32 $0xffff, v5  }
0xf1: {  	(v2sf) =	vpush v3, $0xF;
	v3, _, _ =	vpop (xrf0);
	(xrf0) =	vmax.scan.msk.u32 $0xffff, v2  }
0xf2: {  	(v2sf) =	vpush v1, $0xF;
	v1, _, _ =	vpop (xrf0);
	(xrf0) =	vmax.scan.msk.u32 $0xffff, v0  }
0xf3: {  	v0, _, _ =	vpop (xrf0)  }
0xf4: {  	v2, _, _ =	vpop (xrf0)  }
0xf5: {  	(v2sf) =	vpush v4, $0xF;
	v4, _, _ =	vpop (xrf0)  }
0xf6: {  	v5, _, _ =	vpop (xrf0)  }
0xf7: {  	(v2sf) =	vpush v6, $0xF;
	v6, _, _ =	vpop (xrf0)  }
0xf8: {  	s18 =	sadd.s32 $0x8700, s16;
	s19 =	sadd.s32 $0x8780, s16;
	s17 =	sadd.s32 $0x10, s17;
	v7, _, _ =	vpop (xrf0)  }
0xf9: {  	s22 =	sadd.s32 $0x8600, s16;
	s20 =	sadd.s32 $0x8680, s16;
	s4 =	spop (v2sf)  }
0xfa: {  	s5 =	sadd.s32 $0x8380, s16;
	s4 =	sshll.u32 s4, $0x4;
	s6 =	spop (v2sf)  }
0xfb: {  	s4 =	sand.u32 $0x1FFFFFF0, s4;
	s6 =	sshll.u32 s6, $0x4;
	s7 =	spop (v2sf);
	(v2sf) =	vpush v3, $0xF  }
0xfc: {  	s4 =	sadd.s32 s3, s4;
	s6 =	sand.u32 $0x1FFFFFF0, s6;
	s8 =	spop (v2sf)  }
0xfd: {  	[tilespmem:s0], [sflag:$0x2] =	stream.linear.gather [hbm4b:s4+s2], $0x80, $0x38;
	(v2sf) =	vpush v1, $0xF;
	[tilespmem:$0x10200] =	vst v63  }
0xfe: {  	s0 =	sadd.s32 s3, s6;
	s4 =	sshll.u32 s7, $0x4;
	s6 =	sshll.u32 s8, $0x4;
	(v2sf) =	vpush v0, $0xF  }
0xff: {  	[tilespmem:s1], [sflag:$0x2] =	stream.linear.gather [hbm4b:s0+s2], $0x80, $0x38;
	(v2sf) =	vpush v2, $0xF;
	[tilespmem:$0x10200] =	vst v63  }
0x100: {  	s0 =	sand.u32 $0x1FFFFFF0, s4;
	s1 =	sand.u32 $0x1FFFFFF0, s6;
	s4 =	spop (v2sf);
	(v2sf) =	vpush v4, $0xF  }
0x101: {  	s0 =	sadd.s32 s3, s0;
	s4 =	sshll.u32 s4, $0x4;
	s6 =	spop (v2sf);
	(v2sf) =	vpush v5, $0xF  }
0x102: {  	s1 =	sadd.s32 s3, s1;
	s4 =	sand.u32 $0x1FFFFFF0, s4;
	s6 =	sshll.u32 s6, $0x4  }
0x103: {  	[tilespmem:s24], [sflag:$0x2] =	stream.linear.gather [hbm4b:s0+s2], $0x80, $0x38;
	[tilespmem:$0x10200] =	vst v63  }
0x104: {  	s0 =	sand.u32 $0x1FFFFFF0, s6;
	s24 =	sadd.s32 $0x8580, s16;
	s6 =	spop (v2sf)  }
0x105: {  	[tilespmem:s5], [sflag:$0x2] =	stream.linear.gather [hbm4b:s1+s2], $0x80, $0x38;
	(v2sf) =	vpush v6, $0xF;
	[tilespmem:$0x10200] =	vst v63  }
0x106: {  	s1 =	sadd.s32 s3, s4;
	s4 =	sshll.u32 s6, $0x4;
	s5 =	spop (v2sf)  }
0x107: {  	[tilespmem:s23], [sflag:$0x2] =	stream.linear.gather [hbm4b:s1+s2], $0x80, $0x38;
	[tilespmem:$0x10200] =	vst v63  }
.Ltmp1:
0x108: {  	(v2sf) =	vpush v7, $0xF;
	(pc) =	sbr.rel @p0 .LBB2_4-.Ltmp1, $4  }
0x109: {  	s0 =	sadd.s32 s3, s0;
	s1 =	sand.u32 $0x1FFFFFF0, s4;
	s4 =	sshll.u32 s5, $0x4  }
0x10a: {  	[tilespmem:s25], [sflag:$0x2] =	stream.linear.gather [hbm4b:s0+s2], $0x80, $0x38;
	[tilespmem:$0x10200] =	vst v63  }
0x10b: {  	s23 =	sand.u32 $0x1FFFFFF0, s4;
	s0 =	sadd.s32 s3, s1;
	s25 =	spop (v2sf)  }
0x10c: {  	[tilespmem:s21], [sflag:$0x2] =	stream.linear.gather [hbm4b:s0+s2], $0x80, $0x38;
	[tilespmem:$0x10200] =	vst v63  }
0x10d: {  	s0 =	spop (v2sf)  }
0x10e: {  	s1 =	sadd.s32 s3, s23;
	s4 =	sshll.u32 s25, $0x4;
	s5 =	spop (v2sf)  }
0x10f: {  	[tilespmem:s24], [sflag:$0x2] =	stream.linear.gather [hbm4b:s1+s2], $0x80, $0x38;
	[tilespmem:$0x10200] =	vst v63  }
0x110: {  	s4 =	sand.u32 $0x1FFFFFF0, s4;
	s0 =	sshll.u32 s0, $0x4;
	s6 =	spop (v2sf)  }
0x111: {  	s0 =	sand.u32 $0x1FFFFFF0, s0;
	s5 =	sshll.u32 s5, $0x4;
	s4 =	sadd.s32 s3, s4  }
0x112: {  	s6 =	sshll.u32 s6, $0x4;
	s5 =	sand.u32 $0x1FFFFFF0, s5;
	s7 =	spop (v2sf)  }
0x113: {  	[tilespmem:s22], [sflag:$0x2] =	stream.linear.gather [hbm4b:s4+s2], $0x80, $0x38;
	[tilespmem:$0x10200] =	vst v63  }
0x114: {  	s0 =	sadd.s32 s3, s0;
	s22 =	sadd.s32 $0x8880, s16;
	s6 =	sand.u32 $0x1FFFFFF0, s6  }
0x115: {  	s8 =	sshll.u32 s7, $0x4;
	s10 =	spop (v2sf);
	s5 =	sadd.s32 s3, s5  }
0x116: {  	[tilespmem:s20], [sflag:$0x2] =	stream.linear.gather [hbm4b:s0+s2], $0x80, $0x38;
	[tilespmem:$0x10200] =	vst v63  }
0x117: {  	s1 =	sand.u32 $0x1FFFFFF0, s8;
	s12 =	sshll.u32 s10, $0x4;
	s6 =	sadd.s32 s3, s6  }
0x118: {  	[tilespmem:s18], [sflag:$0x2] =	stream.linear.gather [hbm4b:s5+s2], $0x80, $0x38;
	[tilespmem:$0x10200] =	vst v63  }
0x119: {  	s20 =	sadd.s32 $0x8800, s16;
	s15 =	sand.u32 $0x1FFFFFF0, s12;
	s17 =	spop (v2sf)  }
0x11a: {  	[tilespmem:s19], [sflag:$0x2] =	stream.linear.gather [hbm4b:s6+s2], $0x80, $0x38;
	[tilespmem:$0x10200] =	vst v63  }
0x11b: {  	s1 =	sadd.s32 s3, s1;
	s4 =	sshll.u32 s17, $0x4;
	s18 =	spop (v2sf)  }
0x11c: {  	[tilespmem:s20], [sflag:$0x2] =	stream.linear.gather [hbm4b:s1+s2], $0x80, $0x38;
	[tilespmem:$0x10200] =	vst v63  }
0x11d: {  	s0 =	sadd.s32 s3, s15;
	s4 =	sand.u32 $0x1FFFFFF0, s4;
	s21 =	sshll.u32 s18, $0x4  }
0x11e: {  	[tilespmem:s22], [sflag:$0x2] =	stream.linear.gather [hbm4b:s0+s2], $0x80, $0x38;
	[tilespmem:$0x10200] =	vst v63  }
0x11f: {  	s24 =	sadd.s32 $0x8900, s16;
	s4 =	sadd.s32 s3, s4;
	s23 =	sand.u32 $0x1FFFFFF0, s21  }
0x120: {  	[tilespmem:s24], [sflag:$0x2] =	stream.linear.gather [hbm4b:s4+s2], $0x80, $0x38;
	[tilespmem:$0x10200] =	vst v63  }
0x121: {  	s25 =	sadd.s32 $0x8980, s16;
	s0 =	sadd.s32 s3, s23  }
0x122: {  	[tilespmem:s25], [sflag:$0x2] =	stream.linear.gather [hbm4b:s0+s2], $0x80, $0x38;
	[tilespmem:$0x10200] =	vst v63  }
0x123: {  	_ =	swait.ge [sflag:s9], $0x8000  }
0x124: {  	[sflag:s9] =	ssyncset.done $0x0  }
0x125: {  	s28 =	simm.s32 $0x200;
	s26 =	rddreg [dreg:$0x4];
	[sflag:s9] =	ssyncadd.s32 $0xFFFF8000  }
0x126: {  	[hbm4b:s26+s2] =	stream.linear.scatter [tilespmem:s28], [sflag:$0x3], $0x8000, $0x38;
	[tilespmem:$0x10200] =	vst v63  }
0x127: {  	_ =	swait.ge [sflag:s11], $0x8000  }
0x128: {  	[sflag:s11] =	ssyncset.done $0x0  }
0x129: {  	s30 =	simm.s32 $0x8200;
	s29 =	rddreg [dreg:$0x5];
	[sflag:s11] =	ssyncadd.s32 $0xFFFF8000  }
0x12a: {  	[hbm4b:s29+s2] =	stream.linear.scatter [tilespmem:s30], [sflag:$0x3], $0x8000, $0x38;
	[tilespmem:$0x10200] =	vst v63  }
0x12b: {  	_ =	swait.ge [sflag:s13], $0x10000  }
0x12c: {  	s14 =	sadd.s32 $0x1, s14;
	s31 =	rddreg [dreg:$0x6]  }
0x12d: {  	p0 =	sne.s32 s14, s31  }
.Ltmp2:
0x12e: {  	_ = 	snop;
	(pc) =	sbr.rel @p0 .LBB2_1-.Ltmp2, $3  }
0x12f: {  	_ =	sdelay $0x1  }
0x130: {  	[sflag:s13] =	ssyncset.done $0x0  }
0x131: {  	[sflag:s13] =	ssyncadd.s32 $0xFFFF0000  }
0x132: {  	_ =	sfence.sel $0x180000  }
0x133: {  	[bflag:$0x0] =	sbarrier.arrive $0xFFFF  }
0x134: {  	_ =	strace $0x90000047  }
0x135: {  	s0 =	stileid.u32;
	[bflag:$0x2] =	sbarrier.arrive $0xFFFF  }
0x136: {  	p0 =	sne.s32 s0, $0x0;
	s0 =	rddreg [dreg:$0x2]  }
0x137: {  	s0 =	sadd.s32 @!p0 $0x100000, s0  }
0x138: {  	[sflag:s0] =	ssyncadd.tile.s32 @!p0 $0x1;
	_ =	shalt  }
.Lfunc_end2:
_tile_overlayer_lowered:
.L_overlay_start_2:
0x139: {  	(tag) =	ssettag $0x2  }
0x13a: {  	s0 =	rddreg [dreg:$0x0];
	s2 =	stileid.u32  }
0x13b: {  	s1 =	rddreg [dreg:$0x1];
	p0 =	sne.s32 s2, $0x0  }
0x13c: {  	s3 =	rddreg [dreg:$0x2];
	[bflag:$0x3] =	sbarrier.arrive $0xFFFF;
	s2 =	simm.s32 @!p0 $0x1C04  }
0x13d: {  	[timem:s3], [sflag:s2] =	dma.local @!p0 [hbm:s0], s1  }
0x13e: {  	s0 =	simm.s32 @!p0 $0x4  }
0x13f: {  	_ =	swait.ge @!p0 [sflag:s0], s1  }
0x140: {  	s1 =	ssub.s32 @!p0 $0x0, s1;
	[sflag:s0] =	ssyncset.done @!p0 $0x0  }
0x141: {  	[sflag:s0] =	ssyncadd.s32 @!p0 s1  }
0x142: {  	[bflag:$0x3] =	sbarrier.arrive $0xFFFF  }
0x143: {  	_ =	shalt  }

</sc_bundles>
